<compile_context>
chip_gen: v7x
topology: tpu7x:2x2x1
jax: 0.10.2.dev20260603
libtpu: 0.0.44.dev20260713+nightly
codegen_flags: <defaults>
</compile_context>

<pallas_src>
import functools

import jax
import jax.numpy as jnp
from jax import lax
from jax.experimental import pallas as pl
from jax.experimental.pallas import tpu as pltpu
from jax.experimental.pallas import tpu_sc as plsc

NC = 2
NS = 16
NW = NC * NS
CHUNK = 128


def _deg_kernel(n_pad, ch, d):
    stripe = n_pad // NS
    mesh = plsc.VectorSubcoreMesh(core_axis_name="c", subcore_axis_name="s",
                                  num_cores=NC, num_subcores=NS)

    @functools.partial(
        pl.kernel,
        out_type=jax.ShapeDtypeStruct((NC * n_pad, d), jnp.float32),
        mesh=mesh,
        scratch_types=[
            pltpu.VMEM((ch, CHUNK), jnp.int32),
            pltpu.VMEM((CHUNK, d), jnp.float32),
            pltpu.VMEM_SHARED((n_pad, d), jnp.float32),
        ],
    )
    def deg_kernel(dst_hbm, ones_hbm, z_hbm, out_hbm, dst_v, ones_v, acc):
        c = lax.axis_index("c")
        s = lax.axis_index("s")
        wid = c * NS + s
        pltpu.sync_copy(dst_hbm.at[wid], dst_v)
        pltpu.sync_copy(ones_hbm, ones_v)
        pltpu.sync_copy(z_hbm.at[pl.ds(s * stripe, stripe)],
                        acc.at[pl.ds(s * stripe, stripe)])
        plsc.subcore_barrier()

        @pl.loop(0, ch)
        def _(j):
            pltpu.sync_copy(ones_v, acc.at[dst_v.at[j]], add=True)

        plsc.subcore_barrier()
        pltpu.sync_copy(acc.at[pl.ds(s * stripe, stripe)],
                        out_hbm.at[pl.ds(c * n_pad + s * stripe, stripe)])

    return deg_kernel


def _layer_kernel(n_pad, ch0, ch1, d):
    stripe = n_pad // NS
    chm = max(ch0, ch1)
    mesh = plsc.VectorSubcoreMesh(core_axis_name="c", subcore_axis_name="s",
                                  num_cores=NC, num_subcores=NS)

    @functools.partial(
        pl.kernel,
        out_type=jax.ShapeDtypeStruct((NC * n_pad, d), jnp.float32),
        mesh=mesh,
        scratch_types=[
            pltpu.VMEM((chm, CHUNK), jnp.int32),
            pltpu.VMEM((chm, CHUNK), jnp.int32),
            pltpu.VMEM((CHUNK, d), jnp.float32),
            pltpu.VMEM_SHARED((n_pad, d), jnp.float32),
        ],
    )
    def layer_kernel(h_hbm, src0_hbm, dst0_hbm, src1_hbm, dst1_hbm,
                     z_hbm, out_hbm, src_v, dst_v, gbuf, acc):
        c = lax.axis_index("c")
        s = lax.axis_index("s")
        pltpu.sync_copy(z_hbm.at[pl.ds(s * stripe, stripe)],
                        acc.at[pl.ds(s * stripe, stripe)])

        @pl.when(c == 0)
        def _():
            pltpu.sync_copy(src0_hbm.at[s], src_v.at[pl.ds(0, ch0)])
            pltpu.sync_copy(dst0_hbm.at[s], dst_v.at[pl.ds(0, ch0)])

        @pl.when(c == 1)
        def _():
            pltpu.sync_copy(src1_hbm.at[s], src_v.at[pl.ds(0, ch1)])
            pltpu.sync_copy(dst1_hbm.at[s], dst_v.at[pl.ds(0, ch1)])

        plsc.subcore_barrier()
        trip = jnp.where(c == 0, ch0, ch1)

        @pl.loop(0, trip)
        def _(j):
            pltpu.sync_copy(h_hbm.at[src_v.at[j]], gbuf)
            pltpu.sync_copy(gbuf, acc.at[dst_v.at[j]], add=True)

        plsc.subcore_barrier()
        pltpu.sync_copy(acc.at[pl.ds(s * stripe, stripe)],
                        out_hbm.at[pl.ds(c * n_pad + s * stripe, stripe)])

    return layer_kernel


def _dis_from_degp(degp, n_pad, n):
    deg = degp[:n_pad, 0:1] + degp[n_pad:, 0:1] + 1.0
    rows = lax.broadcasted_iota(jnp.int32, (n_pad, 1), 0)
    return jnp.where(rows < n, lax.rsqrt(deg), 0.0)


def _prep_body(n_pad, n, x_ref, degp_ref, w_ref, out_ref):
    dis = _dis_from_degp(degp_ref[...], n_pad, n)
    h = jnp.dot(x_ref[...], w_ref[...], preferred_element_type=jnp.float32)
    out_ref[...] = h * dis


def _mid_body(n_pad, n, p_ref, h_ref, degp_ref, b_ref, w_ref, out_ref):
    dis = _dis_from_degp(degp_ref[...], n_pad, n)
    p = p_ref[...]
    acc = p[:n_pad] + p[n_pad:] + h_ref[...]
    t = jnp.maximum(acc * dis + b_ref[...], 0.0)
    out_ref[...] = jnp.dot(
        t, w_ref[...], preferred_element_type=jnp.float32) * dis


def _final_body(n_pad, n, p_ref, h_ref, degp_ref, b_ref, wh_ref, bh_ref,
                emb_ref, pred_ref):
    dis = _dis_from_degp(degp_ref[...], n_pad, n)
    p = p_ref[...]
    acc = p[:n_pad] + p[n_pad:] + h_ref[...]
    emb = jnp.maximum(acc * dis + b_ref[...], 0.0)
    pred = jnp.dot(
        emb, wh_ref[...], preferred_element_type=jnp.float32) + bh_ref[...]
    emb_ref[...] = jnp.nan_to_num(emb)
    pred_ref[...] = jnp.nan_to_num(pred)


def kernel(x, edge_index, W1, b1, W2, b2, W3, b3, Wh, bh):
    x = x.astype(jnp.float32)
    n, d = x.shape
    e = edge_index.shape[1]
    n_pad = ((n + NS * CHUNK - 1) // (NS * CHUNK)) * (NS * CHUNK)
    ch = -(-e // (NW * CHUNK))
    e_pad = NW * ch * CHUNK

    fill = jnp.full((e_pad - e,), n, dtype=edge_index.dtype)
    dst = jnp.concatenate([edge_index[1], fill]).reshape(NW, ch, CHUNK)

    tot = -(-e // (NS * CHUNK))
    ch1 = max(1, int(tot * 0.433))
    ch0 = tot - ch1
    e0 = NS * ch0 * CHUNK
    e1_pad = NS * ch1 * CHUNK
    fill1 = jnp.full((e0 + e1_pad - e,), n, dtype=edge_index.dtype)
    src0 = edge_index[0, :e0].reshape(NS, ch0, CHUNK)
    dst0 = edge_index[1, :e0].reshape(NS, ch0, CHUNK)
    src1 = jnp.concatenate(
        [edge_index[0, e0:], fill1]).reshape(NS, ch1, CHUNK)
    dst1 = jnp.concatenate(
        [edge_index[1, e0:], fill1]).reshape(NS, ch1, CHUNK)

    x_pad = jnp.zeros((n_pad, d), jnp.float32).at[:n].set(x)
    z = jnp.zeros((n_pad, d), jnp.float32)
    ones = jnp.ones((CHUNK, d), jnp.float32)
    b1r = b1.reshape(1, d)
    b2r = b2.reshape(1, d)
    b3r = b3.reshape(1, d)
    bhr = bh.reshape(1, 1)

    deg_k = _deg_kernel(n_pad, ch, d)
    lay_k = _layer_kernel(n_pad, ch0, ch1, d)

    prep = pl.pallas_call(
        functools.partial(_prep_body, n_pad, n),
        out_shape=jax.ShapeDtypeStruct((n_pad, d), jnp.float32))
    mid = pl.pallas_call(
        functools.partial(_mid_body, n_pad, n),
        out_shape=jax.ShapeDtypeStruct((n_pad, d), jnp.float32))
    final = pl.pallas_call(
        functools.partial(_final_body, n_pad, n),
        out_shape=(jax.ShapeDtypeStruct((n_pad, d), jnp.float32),
                   jax.ShapeDtypeStruct((n_pad, 1), jnp.float32)))

    degp = deg_k(dst, ones, z)
    h = prep(x_pad, degp, W1)
    p = lay_k(h, src0, dst0, src1, dst1, z)
    h = mid(p, h, degp, b1r, W2)
    p = lay_k(h, src0, dst0, src1, dst1, z)
    h = mid(p, h, degp, b2r, W3)
    p = lay_k(h, src0, dst0, src1, dst1, z)
    emb, pred = final(p, h, degp, b3r, Wh, bhr)
    return emb[:n], pred[:n, 0]

# --- scband reference (transcript-rebuilt; emitter-appended) ---
"""Pipeline reference for scband-gnn-52896817217754 (READ-ONLY COPY).

The authoritative reference and input builder live on the scoring server;
editing this copy changes nothing except your own understanding.
"""

import jax, jax.numpy as jnp
import numpy as np

N = 10000
E = 320000
D = 128


def setup_inputs(seed: int = 0) -> dict:
    key = jax.random.key(seed)
    ks = jax.random.split(key, 10)
    x = jax.random.normal(ks[0], (N, D), dtype=jnp.float32)
    edge_index = jax.random.randint(ks[1], (2, E), 0, N, dtype=jnp.int32)
    s = 1.0 / np.sqrt(D)
    W1 = jax.random.normal(ks[2], (D, D), dtype=jnp.float32) * s
    b1 = jnp.zeros((D,), dtype=jnp.float32)
    W2 = jax.random.normal(ks[3], (D, D), dtype=jnp.float32) * s
    b2 = jnp.zeros((D,), dtype=jnp.float32)
    W3 = jax.random.normal(ks[4], (D, D), dtype=jnp.float32) * s
    b3 = jnp.zeros((D,), dtype=jnp.float32)
    Wh = jax.random.normal(ks[5], (D, 1), dtype=jnp.float32) * s
    bh = jnp.zeros((1,), dtype=jnp.float32)
    return {"x": x, "edge_index": edge_index, "W1": W1, "b1": b1, "W2": W2, "b2": b2, "W3": W3, "b3": b3, "Wh": Wh, "bh": bh}


def _gcn_conv(x, W, b, src, dst, num_nodes):
    # PyG GCNConv with add_self_loops (loops already appended to src/dst)
    h = x @ W
    deg = jnp.zeros((num_nodes,), dtype=h.dtype).at[dst].add(1.0)
    dis = jnp.where(deg > 0, 1.0 / jnp.sqrt(deg), 0.0)
    norm = dis[src] * dis[dst]
    msg = h[src] * norm[:, None]
    out = jnp.zeros((num_nodes, h.shape[1]), dtype=h.dtype).at[dst].add(msg)
    return out + b


def reference(x, edge_index, W1, b1, W2, b2, W3, b3, Wh, bh):
    x = x.astype(jnp.float32)
    n = x.shape[0]
    loops = jnp.arange(n, dtype=edge_index.dtype)
    src = jnp.concatenate([edge_index[0], loops])
    dst = jnp.concatenate([edge_index[1], loops])
    h = jax.nn.relu(_gcn_conv(x, W1, b1, src, dst, n))
    h = jax.nn.relu(_gcn_conv(h, W2, b2, src, dst, n))
    emb = jax.nn.relu(_gcn_conv(h, W3, b3, src, dst, n))
    pred = (emb @ Wh + bh).squeeze(-1)
    return (jnp.nan_to_num(emb), jnp.nan_to_num(pred))

if __name__ == "__main__":
    import jax
    _d = setup_inputs()
    print(jax.jit(kernel)(*tuple(_d.values())))

</pallas_src>

<mosaic_0001>
#map = affine_map<(d0, d1) -> (0, 0)>
#map1 = affine_map<(d0, d1) -> (0, 0, 0)>
module attributes {stable_mosaic.version = 14 : i64} {
  func.func @layer_kernel(%arg0: i32, %arg1: i32, %arg2: memref<10240x128xf32, #tpu.memory_space<hbm>>, %arg3: memref<16x90x128xi32, #tpu.memory_space<hbm>>, %arg4: memref<16x90x128xi32, #tpu.memory_space<hbm>>, %arg5: memref<16x67x128xi32, #tpu.memory_space<hbm>>, %arg6: memref<16x67x128xi32, #tpu.memory_space<hbm>>, %arg7: memref<10240x128xf32, #tpu.memory_space<hbm>>, %arg8: memref<20480x128xf32, #tpu.memory_space<hbm>>, %arg9: memref<90x128xi32, #tpu.memory_space<vmem>>, %arg10: memref<90x128xi32, #tpu.memory_space<vmem>>, %arg11: memref<128x128xf32, #tpu.memory_space<vmem>>, %arg12: memref<10240x128xf32, #tpu.memory_space<vmem_shared>>) attributes {dimension_semantics = [#tpu.dimension_semantics<core_parallel>, #tpu.dimension_semantics<subcore_parallel>], iteration_bounds = array<i64: 2, 16>, scalar_prefetch = 0 : i64, scratch_operands = 4 : i64, tpu.core_type = #tpu.core_type<sc_vector_subcore>, window_params = [{transform_indices = #map}, {transform_indices = #map1}, {transform_indices = #map1}, {transform_indices = #map1}, {transform_indices = #map1}, {transform_indices = #map}, {transform_indices = #map}]} {
    %mul3A = arith.constant 640 : i32
    %mul3A_0 = arith.muli %arg1, %mul3A : i32
    %mul3A_1 = arith.constant 640 : i32
    %mul3A_2 = arith.muli %arg1, %mul3A_1 : i32
    "tpu.region"() ({
      %run_scoped3A = tpu.sem_alloc : memref<!tpu.dma_semaphore, #tpu.memory_space<semaphore_mem>>
      %dma_start3A = arith.constant 0 : i32
      %dma_start3A_36 = tpu.memref_slice %arg12[%mul3A_2, %dma_start3A] : memref<10240x128xf32, #tpu.memory_space<vmem_shared>> -> memref<640x128xf32, #tpu.memory_space<vmem_shared>>
      %dma_start3A_37 = arith.constant 0 : i32
      %dma_start3A_38 = tpu.memref_slice %arg7[%mul3A_0, %dma_start3A_37] : memref<10240x128xf32, #tpu.memory_space<hbm>> -> memref<640x128xf32, #tpu.memory_space<hbm>>
      tpu.enqueue_dma source(%dma_start3A_38 : memref<640x128xf32, #tpu.memory_space<hbm>>) target(%dma_start3A_36 : memref<640x128xf32, #tpu.memory_space<vmem_shared>>) target_semaphore(%run_scoped3A : memref<!tpu.dma_semaphore, #tpu.memory_space<semaphore_mem>>)
      %dma_wait3A = arith.constant 0 : i32
      %dma_wait3A_39 = tpu.memref_slice %arg12[%mul3A_2, %dma_wait3A] : memref<10240x128xf32, #tpu.memory_space<vmem_shared>> -> memref<640x128xf32, #tpu.memory_space<vmem_shared>>
      %dma_wait3A_40 = arith.constant 0 : i32
      %dma_wait3A_41 = tpu.memref_slice %arg7[%mul3A_0, %dma_wait3A_40] : memref<10240x128xf32, #tpu.memory_space<hbm>> -> memref<640x128xf32, #tpu.memory_space<hbm>>
      tpu.wait_dma2 semaphore(%run_scoped3A : memref<!tpu.dma_semaphore, #tpu.memory_space<semaphore_mem>>) src(%dma_wait3A_41 : memref<640x128xf32, #tpu.memory_space<hbm>>) dst(%dma_wait3A_39 : memref<640x128xf32, #tpu.memory_space<vmem_shared>>)
      tpu.yield
    }) : () -> ()
    %eq3A = arith.constant 0 : i32
    %eq3A_3 = arith.cmpi eq, %arg0, %eq3A : i32
    %convert_element_type3A = arith.extui %eq3A_3 : i1 to i32
    %cond3A = arith.constant 0 : i32
    %cond3A_4 = arith.cmpi ne, %convert_element_type3A, %cond3A : i32
    scf.if %cond3A_4 {
      "tpu.region"() ({
        %run_scoped3A = tpu.sem_alloc : memref<!tpu.dma_semaphore, #tpu.memory_space<semaphore_mem>>
        %dma_start3A = arith.constant 0 : i32
        %dma_start3A_36 = arith.constant 0 : i32
        %dma_start3A_37 = tpu.memref_slice %arg9[%dma_start3A, %dma_start3A_36] : memref<90x128xi32, #tpu.memory_space<vmem>> -> memref<90x128xi32, #tpu.memory_space<vmem>>
        %dma_start3A_38 = arith.constant 0 : i32
        %dma_start3A_39 = arith.constant 0 : i32
        %dma_start3A_40 = tpu.memref_slice %arg3[%arg1, %dma_start3A_38, %dma_start3A_39] : memref<16x90x128xi32, #tpu.memory_space<hbm>> -> memref<1x90x128xi32, #tpu.memory_space<hbm>>
        %dma_start3A_41 = tpu.memref_squeeze %dma_start3A_40 : memref<1x90x128xi32, #tpu.memory_space<hbm>> -> memref<90x128xi32, #tpu.memory_space<hbm>>
        %dma_start3A_42 = arith.constant 0 : i32
        %dma_start3A_43 = arith.constant 0 : i32
        %dma_start3A_44 = tpu.memref_slice %arg9[%dma_start3A_42, %dma_start3A_43] : memref<90x128xi32, #tpu.memory_space<vmem>> -> memref<90x128xi32, #tpu.memory_space<vmem>>
        %dma_start3A_45 = arith.constant 0 : i32
        %dma_start3A_46 = arith.constant 0 : i32
        %dma_start3A_47 = tpu.memref_slice %arg3[%arg1, %dma_start3A_45, %dma_start3A_46] : memref<16x90x128xi32, #tpu.memory_space<hbm>> -> memref<1x90x128xi32, #tpu.memory_space<hbm>>
        %dma_start3A_48 = tpu.memref_squeeze %dma_start3A_47 : memref<1x90x128xi32, #tpu.memory_space<hbm>> -> memref<90x128xi32, #tpu.memory_space<hbm>>
        tpu.enqueue_dma source(%dma_start3A_48 : memref<90x128xi32, #tpu.memory_space<hbm>>) target(%dma_start3A_44 : memref<90x128xi32, #tpu.memory_space<vmem>>) target_semaphore(%run_scoped3A : memref<!tpu.dma_semaphore, #tpu.memory_space<semaphore_mem>>)
        %dma_wait3A = arith.constant 0 : i32
        %dma_wait3A_49 = arith.constant 0 : i32
        %dma_wait3A_50 = tpu.memref_slice %arg9[%dma_wait3A, %dma_wait3A_49] : memref<90x128xi32, #tpu.memory_space<vmem>> -> memref<90x128xi32, #tpu.memory_space<vmem>>
        %dma_wait3A_51 = arith.constant 0 : i32
        %dma_wait3A_52 = arith.constant 0 : i32
        %dma_wait3A_53 = tpu.memref_slice %arg3[%arg1, %dma_wait3A_51, %dma_wait3A_52] : memref<16x90x128xi32, #tpu.memory_space<hbm>> -> memref<1x90x128xi32, #tpu.memory_space<hbm>>
        %dma_wait3A_54 = tpu.memref_squeeze %dma_wait3A_53 : memref<1x90x128xi32, #tpu.memory_space<hbm>> -> memref<90x128xi32, #tpu.memory_space<hbm>>
        %dma_wait3A_55 = arith.constant 0 : i32
        %dma_wait3A_56 = arith.constant 0 : i32
        %dma_wait3A_57 = tpu.memref_slice %arg9[%dma_wait3A_55, %dma_wait3A_56] : memref<90x128xi32, #tpu.memory_space<vmem>> -> memref<90x128xi32, #tpu.memory_space<vmem>>
        %dma_wait3A_58 = arith.constant 0 : i32
        %dma_wait3A_59 = arith.constant 0 : i32
        %dma_wait3A_60 = tpu.memref_slice %arg3[%arg1, %dma_wait3A_58, %dma_wait3A_59] : memref<16x90x128xi32, #tpu.memory_space<hbm>> -> memref<1x90x128xi32, #tpu.memory_space<hbm>>
        %dma_wait3A_61 = tpu.memref_squeeze %dma_wait3A_60 : memref<1x90x128xi32, #tpu.memory_space<hbm>> -> memref<90x128xi32, #tpu.memory_space<hbm>>
        tpu.wait_dma2 semaphore(%run_scoped3A : memref<!tpu.dma_semaphore, #tpu.memory_space<semaphore_mem>>) src(%dma_wait3A_61 : memref<90x128xi32, #tpu.memory_space<hbm>>) dst(%dma_wait3A_57 : memref<90x128xi32, #tpu.memory_space<vmem>>)
        tpu.yield
      }) : () -> ()
      "tpu.region"() ({
        %run_scoped3A = tpu.sem_alloc : memref<!tpu.dma_semaphore, #tpu.memory_space<semaphore_mem>>
        %dma_start3A = arith.constant 0 : i32
        %dma_start3A_36 = arith.constant 0 : i32
        %dma_start3A_37 = tpu.memref_slice %arg10[%dma_start3A, %dma_start3A_36] : memref<90x128xi32, #tpu.memory_space<vmem>> -> memref<90x128xi32, #tpu.memory_space<vmem>>
        %dma_start3A_38 = arith.constant 0 : i32
        %dma_start3A_39 = arith.constant 0 : i32
        %dma_start3A_40 = tpu.memref_slice %arg4[%arg1, %dma_start3A_38, %dma_start3A_39] : memref<16x90x128xi32, #tpu.memory_space<hbm>> -> memref<1x90x128xi32, #tpu.memory_space<hbm>>
        %dma_start3A_41 = tpu.memref_squeeze %dma_start3A_40 : memref<1x90x128xi32, #tpu.memory_space<hbm>> -> memref<90x128xi32, #tpu.memory_space<hbm>>
        %dma_start3A_42 = arith.constant 0 : i32
        %dma_start3A_43 = arith.constant 0 : i32
        %dma_start3A_44 = tpu.memref_slice %arg10[%dma_start3A_42, %dma_start3A_43] : memref<90x128xi32, #tpu.memory_space<vmem>> -> memref<90x128xi32, #tpu.memory_space<vmem>>
        %dma_start3A_45 = arith.constant 0 : i32
        %dma_start3A_46 = arith.constant 0 : i32
        %dma_start3A_47 = tpu.memref_slice %arg4[%arg1, %dma_start3A_45, %dma_start3A_46] : memref<16x90x128xi32, #tpu.memory_space<hbm>> -> memref<1x90x128xi32, #tpu.memory_space<hbm>>
        %dma_start3A_48 = tpu.memref_squeeze %dma_start3A_47 : memref<1x90x128xi32, #tpu.memory_space<hbm>> -> memref<90x128xi32, #tpu.memory_space<hbm>>
        tpu.enqueue_dma source(%dma_start3A_48 : memref<90x128xi32, #tpu.memory_space<hbm>>) target(%dma_start3A_44 : memref<90x128xi32, #tpu.memory_space<vmem>>) target_semaphore(%run_scoped3A : memref<!tpu.dma_semaphore, #tpu.memory_space<semaphore_mem>>)
        %dma_wait3A = arith.constant 0 : i32
        %dma_wait3A_49 = arith.constant 0 : i32
        %dma_wait3A_50 = tpu.memref_slice %arg10[%dma_wait3A, %dma_wait3A_49] : memref<90x128xi32, #tpu.memory_space<vmem>> -> memref<90x128xi32, #tpu.memory_space<vmem>>
        %dma_wait3A_51 = arith.constant 0 : i32
        %dma_wait3A_52 = arith.constant 0 : i32
        %dma_wait3A_53 = tpu.memref_slice %arg4[%arg1, %dma_wait3A_51, %dma_wait3A_52] : memref<16x90x128xi32, #tpu.memory_space<hbm>> -> memref<1x90x128xi32, #tpu.memory_space<hbm>>
        %dma_wait3A_54 = tpu.memref_squeeze %dma_wait3A_53 : memref<1x90x128xi32, #tpu.memory_space<hbm>> -> memref<90x128xi32, #tpu.memory_space<hbm>>
        %dma_wait3A_55 = arith.constant 0 : i32
        %dma_wait3A_56 = arith.constant 0 : i32
        %dma_wait3A_57 = tpu.memref_slice %arg10[%dma_wait3A_55, %dma_wait3A_56] : memref<90x128xi32, #tpu.memory_space<vmem>> -> memref<90x128xi32, #tpu.memory_space<vmem>>
        %dma_wait3A_58 = arith.constant 0 : i32
        %dma_wait3A_59 = arith.constant 0 : i32
        %dma_wait3A_60 = tpu.memref_slice %arg4[%arg1, %dma_wait3A_58, %dma_wait3A_59] : memref<16x90x128xi32, #tpu.memory_space<hbm>> -> memref<1x90x128xi32, #tpu.memory_space<hbm>>
        %dma_wait3A_61 = tpu.memref_squeeze %dma_wait3A_60 : memref<1x90x128xi32, #tpu.memory_space<hbm>> -> memref<90x128xi32, #tpu.memory_space<hbm>>
        tpu.wait_dma2 semaphore(%run_scoped3A : memref<!tpu.dma_semaphore, #tpu.memory_space<semaphore_mem>>) src(%dma_wait3A_61 : memref<90x128xi32, #tpu.memory_space<hbm>>) dst(%dma_wait3A_57 : memref<90x128xi32, #tpu.memory_space<vmem>>)
        tpu.yield
      }) : () -> ()
    } else {
    }
    %eq3A_5 = arith.constant 1 : i32
    %eq3A_6 = arith.cmpi eq, %arg0, %eq3A_5 : i32
    %convert_element_type3A_7 = arith.extui %eq3A_6 : i1 to i32
    %cond3A_8 = arith.constant 0 : i32
    %cond3A_9 = arith.cmpi ne, %convert_element_type3A_7, %cond3A_8 : i32
    scf.if %cond3A_9 {
      "tpu.region"() ({
        %run_scoped3A = tpu.sem_alloc : memref<!tpu.dma_semaphore, #tpu.memory_space<semaphore_mem>>
        %dma_start3A = arith.constant 0 : i32
        %dma_start3A_36 = arith.constant 0 : i32
        %dma_start3A_37 = tpu.memref_slice %arg9[%dma_start3A, %dma_start3A_36] : memref<90x128xi32, #tpu.memory_space<vmem>> -> memref<67x128xi32, #tpu.memory_space<vmem>>
        %dma_start3A_38 = arith.constant 0 : i32
        %dma_start3A_39 = arith.constant 0 : i32
        %dma_start3A_40 = tpu.memref_slice %arg5[%arg1, %dma_start3A_38, %dma_start3A_39] : memref<16x67x128xi32, #tpu.memory_space<hbm>> -> memref<1x67x128xi32, #tpu.memory_space<hbm>>
        %dma_start3A_41 = tpu.memref_squeeze %dma_start3A_40 : memref<1x67x128xi32, #tpu.memory_space<hbm>> -> memref<67x128xi32, #tpu.memory_space<hbm>>
        %dma_start3A_42 = arith.constant 0 : i32
        %dma_start3A_43 = arith.constant 0 : i32
        %dma_start3A_44 = tpu.memref_slice %arg9[%dma_start3A_42, %dma_start3A_43] : memref<90x128xi32, #tpu.memory_space<vmem>> -> memref<67x128xi32, #tpu.memory_space<vmem>>
        %dma_start3A_45 = arith.constant 0 : i32
        %dma_start3A_46 = arith.constant 0 : i32
        %dma_start3A_47 = tpu.memref_slice %arg5[%arg1, %dma_start3A_45, %dma_start3A_46] : memref<16x67x128xi32, #tpu.memory_space<hbm>> -> memref<1x67x128xi32, #tpu.memory_space<hbm>>
        %dma_start3A_48 = tpu.memref_squeeze %dma_start3A_47 : memref<1x67x128xi32, #tpu.memory_space<hbm>> -> memref<67x128xi32, #tpu.memory_space<hbm>>
        tpu.enqueue_dma source(%dma_start3A_48 : memref<67x128xi32, #tpu.memory_space<hbm>>) target(%dma_start3A_44 : memref<67x128xi32, #tpu.memory_space<vmem>>) target_semaphore(%run_scoped3A : memref<!tpu.dma_semaphore, #tpu.memory_space<semaphore_mem>>)
        %dma_wait3A = arith.constant 0 : i32
        %dma_wait3A_49 = arith.constant 0 : i32
        %dma_wait3A_50 = tpu.memref_slice %arg9[%dma_wait3A, %dma_wait3A_49] : memref<90x128xi32, #tpu.memory_space<vmem>> -> memref<67x128xi32, #tpu.memory_space<vmem>>
        %dma_wait3A_51 = arith.constant 0 : i32
        %dma_wait3A_52 = arith.constant 0 : i32
        %dma_wait3A_53 = tpu.memref_slice %arg5[%arg1, %dma_wait3A_51, %dma_wait3A_52] : memref<16x67x128xi32, #tpu.memory_space<hbm>> -> memref<1x67x128xi32, #tpu.memory_space<hbm>>
        %dma_wait3A_54 = tpu.memref_squeeze %dma_wait3A_53 : memref<1x67x128xi32, #tpu.memory_space<hbm>> -> memref<67x128xi32, #tpu.memory_space<hbm>>
        %dma_wait3A_55 = arith.constant 0 : i32
        %dma_wait3A_56 = arith.constant 0 : i32
        %dma_wait3A_57 = tpu.memref_slice %arg9[%dma_wait3A_55, %dma_wait3A_56] : memref<90x128xi32, #tpu.memory_space<vmem>> -> memref<67x128xi32, #tpu.memory_space<vmem>>
        %dma_wait3A_58 = arith.constant 0 : i32
        %dma_wait3A_59 = arith.constant 0 : i32
        %dma_wait3A_60 = tpu.memref_slice %arg5[%arg1, %dma_wait3A_58, %dma_wait3A_59] : memref<16x67x128xi32, #tpu.memory_space<hbm>> -> memref<1x67x128xi32, #tpu.memory_space<hbm>>
        %dma_wait3A_61 = tpu.memref_squeeze %dma_wait3A_60 : memref<1x67x128xi32, #tpu.memory_space<hbm>> -> memref<67x128xi32, #tpu.memory_space<hbm>>
        tpu.wait_dma2 semaphore(%run_scoped3A : memref<!tpu.dma_semaphore, #tpu.memory_space<semaphore_mem>>) src(%dma_wait3A_61 : memref<67x128xi32, #tpu.memory_space<hbm>>) dst(%dma_wait3A_57 : memref<67x128xi32, #tpu.memory_space<vmem>>)
        tpu.yield
      }) : () -> ()
      "tpu.region"() ({
        %run_scoped3A = tpu.sem_alloc : memref<!tpu.dma_semaphore, #tpu.memory_space<semaphore_mem>>
        %dma_start3A = arith.constant 0 : i32
        %dma_start3A_36 = arith.constant 0 : i32
        %dma_start3A_37 = tpu.memref_slice %arg10[%dma_start3A, %dma_start3A_36] : memref<90x128xi32, #tpu.memory_space<vmem>> -> memref<67x128xi32, #tpu.memory_space<vmem>>
        %dma_start3A_38 = arith.constant 0 : i32
        %dma_start3A_39 = arith.constant 0 : i32
        %dma_start3A_40 = tpu.memref_slice %arg6[%arg1, %dma_start3A_38, %dma_start3A_39] : memref<16x67x128xi32, #tpu.memory_space<hbm>> -> memref<1x67x128xi32, #tpu.memory_space<hbm>>
        %dma_start3A_41 = tpu.memref_squeeze %dma_start3A_40 : memref<1x67x128xi32, #tpu.memory_space<hbm>> -> memref<67x128xi32, #tpu.memory_space<hbm>>
        %dma_start3A_42 = arith.constant 0 : i32
        %dma_start3A_43 = arith.constant 0 : i32
        %dma_start3A_44 = tpu.memref_slice %arg10[%dma_start3A_42, %dma_start3A_43] : memref<90x128xi32, #tpu.memory_space<vmem>> -> memref<67x128xi32, #tpu.memory_space<vmem>>
        %dma_start3A_45 = arith.constant 0 : i32
        %dma_start3A_46 = arith.constant 0 : i32
        %dma_start3A_47 = tpu.memref_slice %arg6[%arg1, %dma_start3A_45, %dma_start3A_46] : memref<16x67x128xi32, #tpu.memory_space<hbm>> -> memref<1x67x128xi32, #tpu.memory_space<hbm>>
        %dma_start3A_48 = tpu.memref_squeeze %dma_start3A_47 : memref<1x67x128xi32, #tpu.memory_space<hbm>> -> memref<67x128xi32, #tpu.memory_space<hbm>>
        tpu.enqueue_dma source(%dma_start3A_48 : memref<67x128xi32, #tpu.memory_space<hbm>>) target(%dma_start3A_44 : memref<67x128xi32, #tpu.memory_space<vmem>>) target_semaphore(%run_scoped3A : memref<!tpu.dma_semaphore, #tpu.memory_space<semaphore_mem>>)
        %dma_wait3A = arith.constant 0 : i32
        %dma_wait3A_49 = arith.constant 0 : i32
        %dma_wait3A_50 = tpu.memref_slice %arg10[%dma_wait3A, %dma_wait3A_49] : memref<90x128xi32, #tpu.memory_space<vmem>> -> memref<67x128xi32, #tpu.memory_space<vmem>>
        %dma_wait3A_51 = arith.constant 0 : i32
        %dma_wait3A_52 = arith.constant 0 : i32
        %dma_wait3A_53 = tpu.memref_slice %arg6[%arg1, %dma_wait3A_51, %dma_wait3A_52] : memref<16x67x128xi32, #tpu.memory_space<hbm>> -> memref<1x67x128xi32, #tpu.memory_space<hbm>>
        %dma_wait3A_54 = tpu.memref_squeeze %dma_wait3A_53 : memref<1x67x128xi32, #tpu.memory_space<hbm>> -> memref<67x128xi32, #tpu.memory_space<hbm>>
        %dma_wait3A_55 = arith.constant 0 : i32
        %dma_wait3A_56 = arith.constant 0 : i32
        %dma_wait3A_57 = tpu.memref_slice %arg10[%dma_wait3A_55, %dma_wait3A_56] : memref<90x128xi32, #tpu.memory_space<vmem>> -> memref<67x128xi32, #tpu.memory_space<vmem>>
        %dma_wait3A_58 = arith.constant 0 : i32
        %dma_wait3A_59 = arith.constant 0 : i32
        %dma_wait3A_60 = tpu.memref_slice %arg6[%arg1, %dma_wait3A_58, %dma_wait3A_59] : memref<16x67x128xi32, #tpu.memory_space<hbm>> -> memref<1x67x128xi32, #tpu.memory_space<hbm>>
        %dma_wait3A_61 = tpu.memref_squeeze %dma_wait3A_60 : memref<1x67x128xi32, #tpu.memory_space<hbm>> -> memref<67x128xi32, #tpu.memory_space<hbm>>
        tpu.wait_dma2 semaphore(%run_scoped3A : memref<!tpu.dma_semaphore, #tpu.memory_space<semaphore_mem>>) src(%dma_wait3A_61 : memref<67x128xi32, #tpu.memory_space<hbm>>) dst(%dma_wait3A_57 : memref<67x128xi32, #tpu.memory_space<vmem>>)
        tpu.yield
      }) : () -> ()
    } else {
    }
    %barrier3A = arith.constant 0 : index
    tpu.barrier barrier_id(%barrier3A)
    %eq3A_10 = arith.constant 0 : i32
    %eq3A_11 = arith.cmpi eq, %arg0, %eq3A_10 : i32
    %jit3A = arith.constant 90 : i32
    %jit3A_12 = arith.constant 67 : i32
    %select_n3A = arith.select %eq3A_11, %jit3A, %jit3A_12 : i32
    %sub3A = arith.constant 0 : i32
    %sub3A_13 = arith.subi %select_n3A, %sub3A : i32
    %sub3A_14 = arith.constant 1 : i32
    %sub3A_15 = arith.constant 1 : i32
    %sub3A_16 = arith.subi %sub3A_14, %sub3A_15 : i32
    %add3A = arith.addi %sub3A_13, %sub3A_16 : i32
    %div3A = arith.constant 1 : i32
    %div3A_17 = arith.divsi %add3A, %div3A : i32
    %while3A = arith.constant 1 : i32
    %while3A_18 = arith.constant 0 : i32
    %while3A_19 = arith.constant 0 : i32
    %while3A_20 = arith.subi %div3A_17, %while3A_19 : i32
    %while3A_21 = arith.addi %while3A_19, %while3A_20 : i32
    %while3A_22 = arith.constant 1 : i32
    %while3A_23 = arith.divsi %while3A_20, %while3A_22 : i32
    %while3A_24 = arith.muli %while3A_23, %while3A_22 : i32
    %while3A_25 = arith.addi %while3A_19, %while3A_24 : i32
    %while3A_26 = arith.constant 1 : i32
    scf.for %while3A_36 = %while3A_19 to %while3A_25 step %while3A_26  : i32 {
      %mul3A_37 = arith.muli %while3A_36, %while3A : i32
      %add3A_38 = arith.addi %while3A_18, %mul3A_37 : i32
      "tpu.region"() ({
        %run_scoped3A = tpu.sem_alloc : memref<!tpu.dma_semaphore, #tpu.memory_space<semaphore_mem>>
        %dma_start3A = arith.constant 0 : i32
        %dma_start3A_39 = tpu.memref_slice %arg9[%add3A_38, %dma_start3A] : memref<90x128xi32, #tpu.memory_space<vmem>> -> memref<1x128xi32, #tpu.memory_space<vmem>>
        %dma_start3A_40 = tpu.memref_squeeze %dma_start3A_39 : memref<1x128xi32, #tpu.memory_space<vmem>> -> memref<128xi32, #tpu.memory_space<vmem>>
        %dma_start3A_41 = arith.constant 0 : i32
        %dma_start3A_42 = arith.constant 0 : i32
        %dma_start3A_43 = tpu.memref_slice %arg2[%dma_start3A_41, %dma_start3A_42] : memref<10240x128xf32, #tpu.memory_space<hbm>> -> memref<10240x128xf32, #tpu.memory_space<hbm>>
        tpu.enqueue_indirect_dma source(%dma_start3A_43 : memref<10240x128xf32, #tpu.memory_space<hbm>>) target(%arg11 : memref<128x128xf32, #tpu.memory_space<vmem>>) offsets(%dma_start3A_40 : memref<128xi32, #tpu.memory_space<vmem>>) semaphore(%run_scoped3A : memref<!tpu.dma_semaphore, #tpu.memory_space<semaphore_mem>>)
        %dma_wait3A = arith.constant 0 : i32
        %dma_wait3A_44 = tpu.memref_slice %arg9[%add3A_38, %dma_wait3A] : memref<90x128xi32, #tpu.memory_space<vmem>> -> memref<1x128xi32, #tpu.memory_space<vmem>>
        %dma_wait3A_45 = tpu.memref_squeeze %dma_wait3A_44 : memref<1x128xi32, #tpu.memory_space<vmem>> -> memref<128xi32, #tpu.memory_space<vmem>>
        %dma_wait3A_46 = arith.constant 0 : i32
        %dma_wait3A_47 = arith.constant 0 : i32
        %dma_wait3A_48 = tpu.memref_slice %arg2[%dma_wait3A_46, %dma_wait3A_47] : memref<10240x128xf32, #tpu.memory_space<hbm>> -> memref<10240x128xf32, #tpu.memory_space<hbm>>
        tpu.wait_indirect_dma semaphore(%run_scoped3A : memref<!tpu.dma_semaphore, #tpu.memory_space<semaphore_mem>>) src(%dma_wait3A_48 : memref<10240x128xf32, #tpu.memory_space<hbm>>) dst(%arg11 : memref<128x128xf32, #tpu.memory_space<vmem>>)
        tpu.yield
      }) : () -> ()
      "tpu.region"() ({
        %run_scoped3A = tpu.sem_alloc : memref<!tpu.dma_semaphore, #tpu.memory_space<semaphore_mem>>
        %dma_start3A = arith.constant 0 : i32
        %dma_start3A_39 = tpu.memref_slice %arg10[%add3A_38, %dma_start3A] : memref<90x128xi32, #tpu.memory_space<vmem>> -> memref<1x128xi32, #tpu.memory_space<vmem>>
        %dma_start3A_40 = tpu.memref_squeeze %dma_start3A_39 : memref<1x128xi32, #tpu.memory_space<vmem>> -> memref<128xi32, #tpu.memory_space<vmem>>
        %dma_start3A_41 = arith.constant 0 : i32
        %dma_start3A_42 = arith.constant 0 : i32
        %dma_start3A_43 = tpu.memref_slice %arg12[%dma_start3A_41, %dma_start3A_42] : memref<10240x128xf32, #tpu.memory_space<vmem_shared>> -> memref<10240x128xf32, #tpu.memory_space<vmem_shared>>
        tpu.enqueue_indirect_dma source(%arg11 : memref<128x128xf32, #tpu.memory_space<vmem>>) target(%dma_start3A_43 : memref<10240x128xf32, #tpu.memory_space<vmem_shared>>) offsets(%dma_start3A_40 : memref<128xi32, #tpu.memory_space<vmem>>) semaphore(%run_scoped3A : memref<!tpu.dma_semaphore, #tpu.memory_space<semaphore_mem>>) {add = true}
        %dma_wait3A = arith.constant 0 : i32
        %dma_wait3A_44 = tpu.memref_slice %arg10[%add3A_38, %dma_wait3A] : memref<90x128xi32, #tpu.memory_space<vmem>> -> memref<1x128xi32, #tpu.memory_space<vmem>>
        %dma_wait3A_45 = tpu.memref_squeeze %dma_wait3A_44 : memref<1x128xi32, #tpu.memory_space<vmem>> -> memref<128xi32, #tpu.memory_space<vmem>>
        %dma_wait3A_46 = arith.constant 0 : i32
        %dma_wait3A_47 = arith.constant 0 : i32
        %dma_wait3A_48 = tpu.memref_slice %arg12[%dma_wait3A_46, %dma_wait3A_47] : memref<10240x128xf32, #tpu.memory_space<vmem_shared>> -> memref<10240x128xf32, #tpu.memory_space<vmem_shared>>
        tpu.wait_indirect_dma semaphore(%run_scoped3A : memref<!tpu.dma_semaphore, #tpu.memory_space<semaphore_mem>>) src(%arg11 : memref<128x128xf32, #tpu.memory_space<vmem>>) dst(%dma_wait3A_48 : memref<10240x128xf32, #tpu.memory_space<vmem_shared>>)
        tpu.yield
      }) : () -> ()
    }
    %while3A_27 = arith.constant 1 : i32
    scf.for %while3A_36 = %while3A_25 to %while3A_21 step %while3A_27  : i32 {
      %mul3A_37 = arith.muli %while3A_36, %while3A : i32
      %add3A_38 = arith.addi %while3A_18, %mul3A_37 : i32
      "tpu.region"() ({
        %run_scoped3A = tpu.sem_alloc : memref<!tpu.dma_semaphore, #tpu.memory_space<semaphore_mem>>
        %dma_start3A = arith.constant 0 : i32
        %dma_start3A_39 = tpu.memref_slice %arg9[%add3A_38, %dma_start3A] : memref<90x128xi32, #tpu.memory_space<vmem>> -> memref<1x128xi32, #tpu.memory_space<vmem>>
        %dma_start3A_40 = tpu.memref_squeeze %dma_start3A_39 : memref<1x128xi32, #tpu.memory_space<vmem>> -> memref<128xi32, #tpu.memory_space<vmem>>
        %dma_start3A_41 = arith.constant 0 : i32
        %dma_start3A_42 = arith.constant 0 : i32
        %dma_start3A_43 = tpu.memref_slice %arg2[%dma_start3A_41, %dma_start3A_42] : memref<10240x128xf32, #tpu.memory_space<hbm>> -> memref<10240x128xf32, #tpu.memory_space<hbm>>
        tpu.enqueue_indirect_dma source(%dma_start3A_43 : memref<10240x128xf32, #tpu.memory_space<hbm>>) target(%arg11 : memref<128x128xf32, #tpu.memory_space<vmem>>) offsets(%dma_start3A_40 : memref<128xi32, #tpu.memory_space<vmem>>) semaphore(%run_scoped3A : memref<!tpu.dma_semaphore, #tpu.memory_space<semaphore_mem>>)
        %dma_wait3A = arith.constant 0 : i32
        %dma_wait3A_44 = tpu.memref_slice %arg9[%add3A_38, %dma_wait3A] : memref<90x128xi32, #tpu.memory_space<vmem>> -> memref<1x128xi32, #tpu.memory_space<vmem>>
        %dma_wait3A_45 = tpu.memref_squeeze %dma_wait3A_44 : memref<1x128xi32, #tpu.memory_space<vmem>> -> memref<128xi32, #tpu.memory_space<vmem>>
        %dma_wait3A_46 = arith.constant 0 : i32
        %dma_wait3A_47 = arith.constant 0 : i32
        %dma_wait3A_48 = tpu.memref_slice %arg2[%dma_wait3A_46, %dma_wait3A_47] : memref<10240x128xf32, #tpu.memory_space<hbm>> -> memref<10240x128xf32, #tpu.memory_space<hbm>>
        tpu.wait_indirect_dma semaphore(%run_scoped3A : memref<!tpu.dma_semaphore, #tpu.memory_space<semaphore_mem>>) src(%dma_wait3A_48 : memref<10240x128xf32, #tpu.memory_space<hbm>>) dst(%arg11 : memref<128x128xf32, #tpu.memory_space<vmem>>)
        tpu.yield
      }) : () -> ()
      "tpu.region"() ({
        %run_scoped3A = tpu.sem_alloc : memref<!tpu.dma_semaphore, #tpu.memory_space<semaphore_mem>>
        %dma_start3A = arith.constant 0 : i32
        %dma_start3A_39 = tpu.memref_slice %arg10[%add3A_38, %dma_start3A] : memref<90x128xi32, #tpu.memory_space<vmem>> -> memref<1x128xi32, #tpu.memory_space<vmem>>
        %dma_start3A_40 = tpu.memref_squeeze %dma_start3A_39 : memref<1x128xi32, #tpu.memory_space<vmem>> -> memref<128xi32, #tpu.memory_space<vmem>>
        %dma_start3A_41 = arith.constant 0 : i32
        %dma_start3A_42 = arith.constant 0 : i32
        %dma_start3A_43 = tpu.memref_slice %arg12[%dma_start3A_41, %dma_start3A_42] : memref<10240x128xf32, #tpu.memory_space<vmem_shared>> -> memref<10240x128xf32, #tpu.memory_space<vmem_shared>>
        tpu.enqueue_indirect_dma source(%arg11 : memref<128x128xf32, #tpu.memory_space<vmem>>) target(%dma_start3A_43 : memref<10240x128xf32, #tpu.memory_space<vmem_shared>>) offsets(%dma_start3A_40 : memref<128xi32, #tpu.memory_space<vmem>>) semaphore(%run_scoped3A : memref<!tpu.dma_semaphore, #tpu.memory_space<semaphore_mem>>) {add = true}
        %dma_wait3A = arith.constant 0 : i32
        %dma_wait3A_44 = tpu.memref_slice %arg10[%add3A_38, %dma_wait3A] : memref<90x128xi32, #tpu.memory_space<vmem>> -> memref<1x128xi32, #tpu.memory_space<vmem>>
        %dma_wait3A_45 = tpu.memref_squeeze %dma_wait3A_44 : memref<1x128xi32, #tpu.memory_space<vmem>> -> memref<128xi32, #tpu.memory_space<vmem>>
        %dma_wait3A_46 = arith.constant 0 : i32
        %dma_wait3A_47 = arith.constant 0 : i32
        %dma_wait3A_48 = tpu.memref_slice %arg12[%dma_wait3A_46, %dma_wait3A_47] : memref<10240x128xf32, #tpu.memory_space<vmem_shared>> -> memref<10240x128xf32, #tpu.memory_space<vmem_shared>>
        tpu.wait_indirect_dma semaphore(%run_scoped3A : memref<!tpu.dma_semaphore, #tpu.memory_space<semaphore_mem>>) src(%arg11 : memref<128x128xf32, #tpu.memory_space<vmem>>) dst(%dma_wait3A_48 : memref<10240x128xf32, #tpu.memory_space<vmem_shared>>)
        tpu.yield
      }) : () -> ()
    }
    %barrier3A_28 = arith.constant 0 : index
    tpu.barrier barrier_id(%barrier3A_28)
    %mul3A_29 = arith.constant 640 : i32
    %mul3A_30 = arith.muli %arg1, %mul3A_29 : i32
    %mul3A_31 = arith.constant 10240 : i32
    %mul3A_32 = arith.muli %arg0, %mul3A_31 : i32
    %mul3A_33 = arith.constant 640 : i32
    %mul3A_34 = arith.muli %arg1, %mul3A_33 : i32
    %add3A_35 = arith.addi %mul3A_32, %mul3A_34 : i32
    "tpu.region"() ({
      %run_scoped3A = tpu.sem_alloc : memref<!tpu.dma_semaphore, #tpu.memory_space<semaphore_mem>>
      %dma_start3A = arith.constant 0 : i32
      %dma_start3A_36 = tpu.memref_slice %arg8[%add3A_35, %dma_start3A] : memref<20480x128xf32, #tpu.memory_space<hbm>> -> memref<640x128xf32, #tpu.memory_space<hbm>>
      %dma_start3A_37 = arith.constant 0 : i32
      %dma_start3A_38 = tpu.memref_slice %arg12[%mul3A_30, %dma_start3A_37] : memref<10240x128xf32, #tpu.memory_space<vmem_shared>> -> memref<640x128xf32, #tpu.memory_space<vmem_shared>>
      tpu.enqueue_dma source(%dma_start3A_38 : memref<640x128xf32, #tpu.memory_space<vmem_shared>>) target(%dma_start3A_36 : memref<640x128xf32, #tpu.memory_space<hbm>>) target_semaphore(%run_scoped3A : memref<!tpu.dma_semaphore, #tpu.memory_space<semaphore_mem>>)
      %dma_wait3A = arith.constant 0 : i32
      %dma_wait3A_39 = tpu.memref_slice %arg8[%add3A_35, %dma_wait3A] : memref<20480x128xf32, #tpu.memory_space<hbm>> -> memref<640x128xf32, #tpu.memory_space<hbm>>
      %dma_wait3A_40 = arith.constant 0 : i32
      %dma_wait3A_41 = tpu.memref_slice %arg12[%mul3A_30, %dma_wait3A_40] : memref<10240x128xf32, #tpu.memory_space<vmem_shared>> -> memref<640x128xf32, #tpu.memory_space<vmem_shared>>
      tpu.wait_dma2 semaphore(%run_scoped3A : memref<!tpu.dma_semaphore, #tpu.memory_space<semaphore_mem>>) src(%dma_wait3A_41 : memref<640x128xf32, #tpu.memory_space<vmem_shared>>) dst(%dma_wait3A_39 : memref<640x128xf32, #tpu.memory_space<hbm>>)
      tpu.yield
    }) : () -> ()
    return
  }
}

#map = affine_map<(d0, d1) -> (0, 0)>
#map1 = affine_map<(d0, d1) -> (0, 0, 0)>
module attributes {stable_mosaic.version = 14 : i64} {
  func.func @layer_kernel(%arg0: i32, %arg1: i32, %arg2: memref<10240x128xf32, #tpu.memory_space<hbm>>, %arg3: memref<16x90x128xi32, #tpu.memory_space<hbm>>, %arg4: memref<16x90x128xi32, #tpu.memory_space<hbm>>, %arg5: memref<16x67x128xi32, #tpu.memory_space<hbm>>, %arg6: memref<16x67x128xi32, #tpu.memory_space<hbm>>, %arg7: memref<10240x128xf32, #tpu.memory_space<hbm>>, %arg8: memref<20480x128xf32, #tpu.memory_space<hbm>>, %arg9: memref<90x128xi32, #tpu.memory_space<vmem>>, %arg10: memref<90x128xi32, #tpu.memory_space<vmem>>, %arg11: memref<128x128xf32, #tpu.memory_space<vmem>>, %arg12: memref<10240x128xf32, #tpu.memory_space<vmem_shared>>) attributes {dimension_semantics = [#tpu.dimension_semantics<core_parallel>, #tpu.dimension_semantics<subcore_parallel>], iteration_bounds = array<i64: 2, 16>, scalar_prefetch = 0 : i64, scratch_operands = 4 : i64, tpu.core_type = #tpu.core_type<sc_vector_subcore>, window_params = [{transform_indices = #map}, {transform_indices = #map1}, {transform_indices = #map1}, {transform_indices = #map1}, {transform_indices = #map1}, {transform_indices = #map}, {transform_indices = #map}]} {
    %mul3A = arith.constant 640 : i32
    %mul3A_0 = arith.muli %arg1, %mul3A : i32
    %mul3A_1 = arith.constant 640 : i32
    %mul3A_2 = arith.muli %arg1, %mul3A_1 : i32
    "tpu.region"() ({
      %run_scoped3A = tpu.sem_alloc : memref<!tpu.dma_semaphore, #tpu.memory_space<semaphore_mem>>
      %dma_start3A = arith.constant 0 : i32
      %dma_start3A_36 = tpu.memref_slice %arg12[%mul3A_2, %dma_start3A] : memref<10240x128xf32, #tpu.memory_space<vmem_shared>> -> memref<640x128xf32, #tpu.memory_space<vmem_shared>>
      %dma_start3A_37 = arith.constant 0 : i32
      %dma_start3A_38 = tpu.memref_slice %arg7[%mul3A_0, %dma_start3A_37] : memref<10240x128xf32, #tpu.memory_space<hbm>> -> memref<640x128xf32, #tpu.memory_space<hbm>>
      tpu.enqueue_dma source(%dma_start3A_38 : memref<640x128xf32, #tpu.memory_space<hbm>>) target(%dma_start3A_36 : memref<640x128xf32, #tpu.memory_space<vmem_shared>>) target_semaphore(%run_scoped3A : memref<!tpu.dma_semaphore, #tpu.memory_space<semaphore_mem>>)
      %dma_wait3A = arith.constant 0 : i32
      %dma_wait3A_39 = tpu.memref_slice %arg12[%mul3A_2, %dma_wait3A] : memref<10240x128xf32, #tpu.memory_space<vmem_shared>> -> memref<640x128xf32, #tpu.memory_space<vmem_shared>>
      %dma_wait3A_40 = arith.constant 0 : i32
      %dma_wait3A_41 = tpu.memref_slice %arg7[%mul3A_0, %dma_wait3A_40] : memref<10240x128xf32, #tpu.memory_space<hbm>> -> memref<640x128xf32, #tpu.memory_space<hbm>>
      tpu.wait_dma2 semaphore(%run_scoped3A : memref<!tpu.dma_semaphore, #tpu.memory_space<semaphore_mem>>) src(%dma_wait3A_41 : memref<640x128xf32, #tpu.memory_space<hbm>>) dst(%dma_wait3A_39 : memref<640x128xf32, #tpu.memory_space<vmem_shared>>)
      tpu.yield
    }) : () -> ()
    %eq3A = arith.constant 0 : i32
    %eq3A_3 = arith.cmpi eq, %arg0, %eq3A : i32
    %convert_element_type3A = arith.extui %eq3A_3 : i1 to i32
    %cond3A = arith.constant 0 : i32
    %cond3A_4 = arith.cmpi ne, %convert_element_type3A, %cond3A : i32
    scf.if %cond3A_4 {
      "tpu.region"() ({
        %run_scoped3A = tpu.sem_alloc : memref<!tpu.dma_semaphore, #tpu.memory_space<semaphore_mem>>
        %dma_start3A = arith.constant 0 : i32
        %dma_start3A_36 = arith.constant 0 : i32
        %dma_start3A_37 = tpu.memref_slice %arg9[%dma_start3A, %dma_start3A_36] : memref<90x128xi32, #tpu.memory_space<vmem>> -> memref<90x128xi32, #tpu.memory_space<vmem>>
        %dma_start3A_38 = arith.constant 0 : i32
        %dma_start3A_39 = arith.constant 0 : i32
        %dma_start3A_40 = tpu.memref_slice %arg3[%arg1, %dma_start3A_38, %dma_start3A_39] : memref<16x90x128xi32, #tpu.memory_space<hbm>> -> memref<1x90x128xi32, #tpu.memory_space<hbm>>
        %dma_start3A_41 = tpu.memref_squeeze %dma_start3A_40 : memref<1x90x128xi32, #tpu.memory_space<hbm>> -> memref<90x128xi32, #tpu.memory_space<hbm>>
        %dma_start3A_42 = arith.constant 0 : i32
        %dma_start3A_43 = arith.constant 0 : i32
        %dma_start3A_44 = tpu.memref_slice %arg9[%dma_start3A_42, %dma_start3A_43] : memref<90x128xi32, #tpu.memory_space<vmem>> -> memref<90x128xi32, #tpu.memory_space<vmem>>
        %dma_start3A_45 = arith.constant 0 : i32
        %dma_start3A_46 = arith.constant 0 : i32
        %dma_start3A_47 = tpu.memref_slice %arg3[%arg1, %dma_start3A_45, %dma_start3A_46] : memref<16x90x128xi32, #tpu.memory_space<hbm>> -> memref<1x90x128xi32, #tpu.memory_space<hbm>>
        %dma_start3A_48 = tpu.memref_squeeze %dma_start3A_47 : memref<1x90x128xi32, #tpu.memory_space<hbm>> -> memref<90x128xi32, #tpu.memory_space<hbm>>
        tpu.enqueue_dma source(%dma_start3A_48 : memref<90x128xi32, #tpu.memory_space<hbm>>) target(%dma_start3A_44 : memref<90x128xi32, #tpu.memory_space<vmem>>) target_semaphore(%run_scoped3A : memref<!tpu.dma_semaphore, #tpu.memory_space<semaphore_mem>>)
        %dma_wait3A = arith.constant 0 : i32
        %dma_wait3A_49 = arith.constant 0 : i32
        %dma_wait3A_50 = tpu.memref_slice %arg9[%dma_wait3A, %dma_wait3A_49] : memref<90x128xi32, #tpu.memory_space<vmem>> -> memref<90x128xi32, #tpu.memory_space<vmem>>
        %dma_wait3A_51 = arith.constant 0 : i32
        %dma_wait3A_52 = arith.constant 0 : i32
        %dma_wait3A_53 = tpu.memref_slice %arg3[%arg1, %dma_wait3A_51, %dma_wait3A_52] : memref<16x90x128xi32, #tpu.memory_space<hbm>> -> memref<1x90x128xi32, #tpu.memory_space<hbm>>
        %dma_wait3A_54 = tpu.memref_squeeze %dma_wait3A_53 : memref<1x90x128xi32, #tpu.memory_space<hbm>> -> memref<90x128xi32, #tpu.memory_space<hbm>>
        %dma_wait3A_55 = arith.constant 0 : i32
        %dma_wait3A_56 = arith.constant 0 : i32
        %dma_wait3A_57 = tpu.memref_slice %arg9[%dma_wait3A_55, %dma_wait3A_56] : memref<90x128xi32, #tpu.memory_space<vmem>> -> memref<90x128xi32, #tpu.memory_space<vmem>>
        %dma_wait3A_58 = arith.constant 0 : i32
        %dma_wait3A_59 = arith.constant 0 : i32
        %dma_wait3A_60 = tpu.memref_slice %arg3[%arg1, %dma_wait3A_58, %dma_wait3A_59] : memref<16x90x128xi32, #tpu.memory_space<hbm>> -> memref<1x90x128xi32, #tpu.memory_space<hbm>>
        %dma_wait3A_61 = tpu.memref_squeeze %dma_wait3A_60 : memref<1x90x128xi32, #tpu.memory_space<hbm>> -> memref<90x128xi32, #tpu.memory_space<hbm>>
        tpu.wait_dma2 semaphore(%run_scoped3A : memref<!tpu.dma_semaphore, #tpu.memory_space<semaphore_mem>>) src(%dma_wait3A_61 : memref<90x128xi32, #tpu.memory_space<hbm>>) dst(%dma_wait3A_57 : memref<90x128xi32, #tpu.memory_space<vmem>>)
        tpu.yield
      }) : () -> ()
      "tpu.region"() ({
        %run_scoped3A = tpu.sem_alloc : memref<!tpu.dma_semaphore, #tpu.memory_space<semaphore_mem>>
        %dma_start3A = arith.constant 0 : i32
        %dma_start3A_36 = arith.constant 0 : i32
        %dma_start3A_37 = tpu.memref_slice %arg10[%dma_start3A, %dma_start3A_36] : memref<90x128xi32, #tpu.memory_space<vmem>> -> memref<90x128xi32, #tpu.memory_space<vmem>>
        %dma_start3A_38 = arith.constant 0 : i32
        %dma_start3A_39 = arith.constant 0 : i32
        %dma_start3A_40 = tpu.memref_slice %arg4[%arg1, %dma_start3A_38, %dma_start3A_39] : memref<16x90x128xi32, #tpu.memory_space<hbm>> -> memref<1x90x128xi32, #tpu.memory_space<hbm>>
        %dma_start3A_41 = tpu.memref_squeeze %dma_start3A_40 : memref<1x90x128xi32, #tpu.memory_space<hbm>> -> memref<90x128xi32, #tpu.memory_space<hbm>>
        %dma_start3A_42 = arith.constant 0 : i32
        %dma_start3A_43 = arith.constant 0 : i32
        %dma_start3A_44 = tpu.memref_slice %arg10[%dma_start3A_42, %dma_start3A_43] : memref<90x128xi32, #tpu.memory_space<vmem>> -> memref<90x128xi32, #tpu.memory_space<vmem>>
        %dma_start3A_45 = arith.constant 0 : i32
        %dma_start3A_46 = arith.constant 0 : i32
        %dma_start3A_47 = tpu.memref_slice %arg4[%arg1, %dma_start3A_45, %dma_start3A_46] : memref<16x90x128xi32, #tpu.memory_space<hbm>> -> memref<1x90x128xi32, #tpu.memory_space<hbm>>
        %dma_start3A_48 = tpu.memref_squeeze %dma_start3A_47 : memref<1x90x128xi32, #tpu.memory_space<hbm>> -> memref<90x128xi32, #tpu.memory_space<hbm>>
        tpu.enqueue_dma source(%dma_start3A_48 : memref<90x128xi32, #tpu.memory_space<hbm>>) target(%dma_start3A_44 : memref<90x128xi32, #tpu.memory_space<vmem>>) target_semaphore(%run_scoped3A : memref<!tpu.dma_semaphore, #tpu.memory_space<semaphore_mem>>)
        %dma_wait3A = arith.constant 0 : i32
        %dma_wait3A_49 = arith.constant 0 : i32
        %dma_wait3A_50 = tpu.memref_slice %arg10[%dma_wait3A, %dma_wait3A_49] : memref<90x128xi32, #tpu.memory_space<vmem>> -> memref<90x128xi32, #tpu.memory_space<vmem>>
        %dma_wait3A_51 = arith.constant 0 : i32
        %dma_wait3A_52 = arith.constant 0 : i32
        %dma_wait3A_53 = tpu.memref_slice %arg4[%arg1, %dma_wait3A_51, %dma_wait3A_52] : memref<16x90x128xi32, #tpu.memory_space<hbm>> -> memref<1x90x128xi32, #tpu.memory_space<hbm>>
        %dma_wait3A_54 = tpu.memref_squeeze %dma_wait3A_53 : memref<1x90x128xi32, #tpu.memory_space<hbm>> -> memref<90x128xi32, #tpu.memory_space<hbm>>
        %dma_wait3A_55 = arith.constant 0 : i32
        %dma_wait3A_56 = arith.constant 0 : i32
        %dma_wait3A_57 = tpu.memref_slice %arg10[%dma_wait3A_55, %dma_wait3A_56] : memref<90x128xi32, #tpu.memory_space<vmem>> -> memref<90x128xi32, #tpu.memory_space<vmem>>
        %dma_wait3A_58 = arith.constant 0 : i32
        %dma_wait3A_59 = arith.constant 0 : i32
        %dma_wait3A_60 = tpu.memref_slice %arg4[%arg1, %dma_wait3A_58, %dma_wait3A_59] : memref<16x90x128xi32, #tpu.memory_space<hbm>> -> memref<1x90x128xi32, #tpu.memory_space<hbm>>
        %dma_wait3A_61 = tpu.memref_squeeze %dma_wait3A_60 : memref<1x90x128xi32, #tpu.memory_space<hbm>> -> memref<90x128xi32, #tpu.memory_space<hbm>>
        tpu.wait_dma2 semaphore(%run_scoped3A : memref<!tpu.dma_semaphore, #tpu.memory_space<semaphore_mem>>) src(%dma_wait3A_61 : memref<90x128xi32, #tpu.memory_space<hbm>>) dst(%dma_wait3A_57 : memref<90x128xi32, #tpu.memory_space<vmem>>)
        tpu.yield
      }) : () -> ()
    } else {
    }
    %eq3A_5 = arith.constant 1 : i32
    %eq3A_6 = arith.cmpi eq, %arg0, %eq3A_5 : i32
    %convert_element_type3A_7 = arith.extui %eq3A_6 : i1 to i32
    %cond3A_8 = arith.constant 0 : i32
    %cond3A_9 = arith.cmpi ne, %convert_element_type3A_7, %cond3A_8 : i32
    scf.if %cond3A_9 {
      "tpu.region"() ({
        %run_scoped3A = tpu.sem_alloc : memref<!tpu.dma_semaphore, #tpu.memory_space<semaphore_mem>>
        %dma_start3A = arith.constant 0 : i32
        %dma_start3A_36 = arith.constant 0 : i32
        %dma_start3A_37 = tpu.memref_slice %arg9[%dma_start3A, %dma_start3A_36] : memref<90x128xi32, #tpu.memory_space<vmem>> -> memref<67x128xi32, #tpu.memory_space<vmem>>
        %dma_start3A_38 = arith.constant 0 : i32
        %dma_start3A_39 = arith.constant 0 : i32
        %dma_start3A_40 = tpu.memref_slice %arg5[%arg1, %dma_start3A_38, %dma_start3A_39] : memref<16x67x128xi32, #tpu.memory_space<hbm>> -> memref<1x67x128xi32, #tpu.memory_space<hbm>>
        %dma_start3A_41 = tpu.memref_squeeze %dma_start3A_40 : memref<1x67x128xi32, #tpu.memory_space<hbm>> -> memref<67x128xi32, #tpu.memory_space<hbm>>
        %dma_start3A_42 = arith.constant 0 : i32
        %dma_start3A_43 = arith.constant 0 : i32
        %dma_start3A_44 = tpu.memref_slice %arg9[%dma_start3A_42, %dma_start3A_43] : memref<90x128xi32, #tpu.memory_space<vmem>> -> memref<67x128xi32, #tpu.memory_space<vmem>>
        %dma_start3A_45 = arith.constant 0 : i32
        %dma_start3A_46 = arith.constant 0 : i32
        %dma_start3A_47 = tpu.memref_slice %arg5[%arg1, %dma_start3A_45, %dma_start3A_46] : memref<16x67x128xi32, #tpu.memory_space<hbm>> -> memref<1x67x128xi32, #tpu.memory_space<hbm>>
        %dma_start3A_48 = tpu.memref_squeeze %dma_start3A_47 : memref<1x67x128xi32, #tpu.memory_space<hbm>> -> memref<67x128xi32, #tpu.memory_space<hbm>>
        tpu.enqueue_dma source(%dma_start3A_48 : memref<67x128xi32, #tpu.memory_space<hbm>>) target(%dma_start3A_44 : memref<67x128xi32, #tpu.memory_space<vmem>>) target_semaphore(%run_scoped3A : memref<!tpu.dma_semaphore, #tpu.memory_space<semaphore_mem>>)
        %dma_wait3A = arith.constant 0 : i32
        %dma_wait3A_49 = arith.constant 0 : i32
        %dma_wait3A_50 = tpu.memref_slice %arg9[%dma_wait3A, %dma_wait3A_49] : memref<90x128xi32, #tpu.memory_space<vmem>> -> memref<67x128xi32, #tpu.memory_space<vmem>>
        %dma_wait3A_51 = arith.constant 0 : i32
        %dma_wait3A_52 = arith.constant 0 : i32
        %dma_wait3A_53 = tpu.memref_slice %arg5[%arg1, %dma_wait3A_51, %dma_wait3A_52] : memref<16x67x128xi32, #tpu.memory_space<hbm>> -> memref<1x67x128xi32, #tpu.memory_space<hbm>>
        %dma_wait3A_54 = tpu.memref_squeeze %dma_wait3A_53 : memref<1x67x128xi32, #tpu.memory_space<hbm>> -> memref<67x128xi32, #tpu.memory_space<hbm>>
        %dma_wait3A_55 = arith.constant 0 : i32
        %dma_wait3A_56 = arith.constant 0 : i32
        %dma_wait3A_57 = tpu.memref_slice %arg9[%dma_wait3A_55, %dma_wait3A_56] : memref<90x128xi32, #tpu.memory_space<vmem>> -> memref<67x128xi32, #tpu.memory_space<vmem>>
        %dma_wait3A_58 = arith.constant 0 : i32
        %dma_wait3A_59 = arith.constant 0 : i32
        %dma_wait3A_60 = tpu.memref_slice %arg5[%arg1, %dma_wait3A_58, %dma_wait3A_59] : memref<16x67x128xi32, #tpu.memory_space<hbm>> -> memref<1x67x128xi32, #tpu.memory_space<hbm>>
        %dma_wait3A_61 = tpu.memref_squeeze %dma_wait3A_60 : memref<1x67x128xi32, #tpu.memory_space<hbm>> -> memref<67x128xi32, #tpu.memory_space<hbm>>
        tpu.wait_dma2 semaphore(%run_scoped3A : memref<!tpu.dma_semaphore, #tpu.memory_space<semaphore_mem>>) src(%dma_wait3A_61 : memref<67x128xi32, #tpu.memory_space<hbm>>) dst(%dma_wait3A_57 : memref<67x128xi32, #tpu.memory_space<vmem>>)
        tpu.yield
      }) : () -> ()
      "tpu.region"() ({
        %run_scoped3A = tpu.sem_alloc : memref<!tpu.dma_semaphore, #tpu.memory_space<semaphore_mem>>
        %dma_start3A = arith.constant 0 : i32
        %dma_start3A_36 = arith.constant 0 : i32
        %dma_start3A_37 = tpu.memref_slice %arg10[%dma_start3A, %dma_start3A_36] : memref<90x128xi32, #tpu.memory_space<vmem>> -> memref<67x128xi32, #tpu.memory_space<vmem>>
        %dma_start3A_38 = arith.constant 0 : i32
        %dma_start3A_39 = arith.constant 0 : i32
        %dma_start3A_40 = tpu.memref_slice %arg6[%arg1, %dma_start3A_38, %dma_start3A_39] : memref<16x67x128xi32, #tpu.memory_space<hbm>> -> memref<1x67x128xi32, #tpu.memory_space<hbm>>
        %dma_start3A_41 = tpu.memref_squeeze %dma_start3A_40 : memref<1x67x128xi32, #tpu.memory_space<hbm>> -> memref<67x128xi32, #tpu.memory_space<hbm>>
        %dma_start3A_42 = arith.constant 0 : i32
        %dma_start3A_43 = arith.constant 0 : i32
        %dma_start3A_44 = tpu.memref_slice %arg10[%dma_start3A_42, %dma_start3A_43] : memref<90x128xi32, #tpu.memory_space<vmem>> -> memref<67x128xi32, #tpu.memory_space<vmem>>
        %dma_start3A_45 = arith.constant 0 : i32
        %dma_start3A_46 = arith.constant 0 : i32
        %dma_start3A_47 = tpu.memref_slice %arg6[%arg1, %dma_start3A_45, %dma_start3A_46] : memref<16x67x128xi32, #tpu.memory_space<hbm>> -> memref<1x67x128xi32, #tpu.memory_space<hbm>>
        %dma_start3A_48 = tpu.memref_squeeze %dma_start3A_47 : memref<1x67x128xi32, #tpu.memory_space<hbm>> -> memref<67x128xi32, #tpu.memory_space<hbm>>
        tpu.enqueue_dma source(%dma_start3A_48 : memref<67x128xi32, #tpu.memory_space<hbm>>) target(%dma_start3A_44 : memref<67x128xi32, #tpu.memory_space<vmem>>) target_semaphore(%run_scoped3A : memref<!tpu.dma_semaphore, #tpu.memory_space<semaphore_mem>>)
        %dma_wait3A = arith.constant 0 : i32
        %dma_wait3A_49 = arith.constant 0 : i32
        %dma_wait3A_50 = tpu.memref_slice %arg10[%dma_wait3A, %dma_wait3A_49] : memref<90x128xi32, #tpu.memory_space<vmem>> -> memref<67x128xi32, #tpu.memory_space<vmem>>
        %dma_wait3A_51 = arith.constant 0 : i32
        %dma_wait3A_52 = arith.constant 0 : i32
        %dma_wait3A_53 = tpu.memref_slice %arg6[%arg1, %dma_wait3A_51, %dma_wait3A_52] : memref<16x67x128xi32, #tpu.memory_space<hbm>> -> memref<1x67x128xi32, #tpu.memory_space<hbm>>
        %dma_wait3A_54 = tpu.memref_squeeze %dma_wait3A_53 : memref<1x67x128xi32, #tpu.memory_space<hbm>> -> memref<67x128xi32, #tpu.memory_space<hbm>>
        %dma_wait3A_55 = arith.constant 0 : i32
        %dma_wait3A_56 = arith.constant 0 : i32
        %dma_wait3A_57 = tpu.memref_slice %arg10[%dma_wait3A_55, %dma_wait3A_56] : memref<90x128xi32, #tpu.memory_space<vmem>> -> memref<67x128xi32, #tpu.memory_space<vmem>>
        %dma_wait3A_58 = arith.constant 0 : i32
        %dma_wait3A_59 = arith.constant 0 : i32
        %dma_wait3A_60 = tpu.memref_slice %arg6[%arg1, %dma_wait3A_58, %dma_wait3A_59] : memref<16x67x128xi32, #tpu.memory_space<hbm>> -> memref<1x67x128xi32, #tpu.memory_space<hbm>>
        %dma_wait3A_61 = tpu.memref_squeeze %dma_wait3A_60 : memref<1x67x128xi32, #tpu.memory_space<hbm>> -> memref<67x128xi32, #tpu.memory_space<hbm>>
        tpu.wait_dma2 semaphore(%run_scoped3A : memref<!tpu.dma_semaphore, #tpu.memory_space<semaphore_mem>>) src(%dma_wait3A_61 : memref<67x128xi32, #tpu.memory_space<hbm>>) dst(%dma_wait3A_57 : memref<67x128xi32, #tpu.memory_space<vmem>>)
        tpu.yield
      }) : () -> ()
    } else {
    }
    %barrier3A = arith.constant 0 : index
    tpu.barrier barrier_id(%barrier3A)
    %eq3A_10 = arith.constant 0 : i32
    %eq3A_11 = arith.cmpi eq, %arg0, %eq3A_10 : i32
    %jit3A = arith.constant 90 : i32
    %jit3A_12 = arith.constant 67 : i32
    %select_n3A = arith.select %eq3A_11, %jit3A, %jit3A_12 : i32
    %sub3A = arith.constant 0 : i32
    %sub3A_13 = arith.subi %select_n3A, %sub3A : i32
    %sub3A_14 = arith.constant 1 : i32
    %sub3A_15 = arith.constant 1 : i32
    %sub3A_16 = arith.subi %sub3A_14, %sub3A_15 : i32
    %add3A = arith.addi %sub3A_13, %sub3A_16 : i32
    %div3A = arith.constant 1 : i32
    %div3A_17 = arith.divsi %add3A, %div3A : i32
    %while3A = arith.constant 1 : i32
    %while3A_18 = arith.constant 0 : i32
    %while3A_19 = arith.constant 0 : i32
    %while3A_20 = arith.subi %div3A_17, %while3A_19 : i32
    %while3A_21 = arith.addi %while3A_19, %while3A_20 : i32
    %while3A_22 = arith.constant 1 : i32
    %while3A_23 = arith.divsi %while3A_20, %while3A_22 : i32
    %while3A_24 = arith.muli %while3A_23, %while3A_22 : i32
    %while3A_25 = arith.addi %while3A_19, %while3A_24 : i32
    %while3A_26 = arith.constant 1 : i32
    scf.for %while3A_36 = %while3A_19 to %while3A_25 step %while3A_26  : i32 {
      %mul3A_37 = arith.muli %while3A_36, %while3A : i32
      %add3A_38 = arith.addi %while3A_18, %mul3A_37 : i32
      "tpu.region"() ({
        %run_scoped3A = tpu.sem_alloc : memref<!tpu.dma_semaphore, #tpu.memory_space<semaphore_mem>>
        %dma_start3A = arith.constant 0 : i32
        %dma_start3A_39 = tpu.memref_slice %arg9[%add3A_38, %dma_start3A] : memref<90x128xi32, #tpu.memory_space<vmem>> -> memref<1x128xi32, #tpu.memory_space<vmem>>
        %dma_start3A_40 = tpu.memref_squeeze %dma_start3A_39 : memref<1x128xi32, #tpu.memory_space<vmem>> -> memref<128xi32, #tpu.memory_space<vmem>>
        %dma_start3A_41 = arith.constant 0 : i32
        %dma_start3A_42 = arith.constant 0 : i32
        %dma_start3A_43 = tpu.memref_slice %arg2[%dma_start3A_41, %dma_start3A_42] : memref<10240x128xf32, #tpu.memory_space<hbm>> -> memref<10240x128xf32, #tpu.memory_space<hbm>>
        tpu.enqueue_indirect_dma source(%dma_start3A_43 : memref<10240x128xf32, #tpu.memory_space<hbm>>) target(%arg11 : memref<128x128xf32, #tpu.memory_space<vmem>>) offsets(%dma_start3A_40 : memref<128xi32, #tpu.memory_space<vmem>>) semaphore(%run_scoped3A : memref<!tpu.dma_semaphore, #tpu.memory_space<semaphore_mem>>)
        %dma_wait3A = arith.constant 0 : i32
        %dma_wait3A_44 = tpu.memref_slice %arg9[%add3A_38, %dma_wait3A] : memref<90x128xi32, #tpu.memory_space<vmem>> -> memref<1x128xi32, #tpu.memory_space<vmem>>
        %dma_wait3A_45 = tpu.memref_squeeze %dma_wait3A_44 : memref<1x128xi32, #tpu.memory_space<vmem>> -> memref<128xi32, #tpu.memory_space<vmem>>
        %dma_wait3A_46 = arith.constant 0 : i32
        %dma_wait3A_47 = arith.constant 0 : i32
        %dma_wait3A_48 = tpu.memref_slice %arg2[%dma_wait3A_46, %dma_wait3A_47] : memref<10240x128xf32, #tpu.memory_space<hbm>> -> memref<10240x128xf32, #tpu.memory_space<hbm>>
        tpu.wait_indirect_dma semaphore(%run_scoped3A : memref<!tpu.dma_semaphore, #tpu.memory_space<semaphore_mem>>) src(%dma_wait3A_48 : memref<10240x128xf32, #tpu.memory_space<hbm>>) dst(%arg11 : memref<128x128xf32, #tpu.memory_space<vmem>>)
        tpu.yield
      }) : () -> ()
      "tpu.region"() ({
        %run_scoped3A = tpu.sem_alloc : memref<!tpu.dma_semaphore, #tpu.memory_space<semaphore_mem>>
        %dma_start3A = arith.constant 0 : i32
        %dma_start3A_39 = tpu.memref_slice %arg10[%add3A_38, %dma_start3A] : memref<90x128xi32, #tpu.memory_space<vmem>> -> memref<1x128xi32, #tpu.memory_space<vmem>>
        %dma_start3A_40 = tpu.memref_squeeze %dma_start3A_39 : memref<1x128xi32, #tpu.memory_space<vmem>> -> memref<128xi32, #tpu.memory_space<vmem>>
        %dma_start3A_41 = arith.constant 0 : i32
        %dma_start3A_42 = arith.constant 0 : i32
        %dma_start3A_43 = tpu.memref_slice %arg12[%dma_start3A_41, %dma_start3A_42] : memref<10240x128xf32, #tpu.memory_space<vmem_shared>> -> memref<10240x128xf32, #tpu.memory_space<vmem_shared>>
        tpu.enqueue_indirect_dma source(%arg11 : memref<128x128xf32, #tpu.memory_space<vmem>>) target(%dma_start3A_43 : memref<10240x128xf32, #tpu.memory_space<vmem_shared>>) offsets(%dma_start3A_40 : memref<128xi32, #tpu.memory_space<vmem>>) semaphore(%run_scoped3A : memref<!tpu.dma_semaphore, #tpu.memory_space<semaphore_mem>>) {add = true}
        %dma_wait3A = arith.constant 0 : i32
        %dma_wait3A_44 = tpu.memref_slice %arg10[%add3A_38, %dma_wait3A] : memref<90x128xi32, #tpu.memory_space<vmem>> -> memref<1x128xi32, #tpu.memory_space<vmem>>
        %dma_wait3A_45 = tpu.memref_squeeze %dma_wait3A_44 : memref<1x128xi32, #tpu.memory_space<vmem>> -> memref<128xi32, #tpu.memory_space<vmem>>
        %dma_wait3A_46 = arith.constant 0 : i32
        %dma_wait3A_47 = arith.constant 0 : i32
        %dma_wait3A_48 = tpu.memref_slice %arg12[%dma_wait3A_46, %dma_wait3A_47] : memref<10240x128xf32, #tpu.memory_space<vmem_shared>> -> memref<10240x128xf32, #tpu.memory_space<vmem_shared>>
        tpu.wait_indirect_dma semaphore(%run_scoped3A : memref<!tpu.dma_semaphore, #tpu.memory_space<semaphore_mem>>) src(%arg11 : memref<128x128xf32, #tpu.memory_space<vmem>>) dst(%dma_wait3A_48 : memref<10240x128xf32, #tpu.memory_space<vmem_shared>>)
        tpu.yield
      }) : () -> ()
    }
    %while3A_27 = arith.constant 1 : i32
    scf.for %while3A_36 = %while3A_25 to %while3A_21 step %while3A_27  : i32 {
      %mul3A_37 = arith.muli %while3A_36, %while3A : i32
      %add3A_38 = arith.addi %while3A_18, %mul3A_37 : i32
      "tpu.region"() ({
        %run_scoped3A = tpu.sem_alloc : memref<!tpu.dma_semaphore, #tpu.memory_space<semaphore_mem>>
        %dma_start3A = arith.constant 0 : i32
        %dma_start3A_39 = tpu.memref_slice %arg9[%add3A_38, %dma_start3A] : memref<90x128xi32, #tpu.memory_space<vmem>> -> memref<1x128xi32, #tpu.memory_space<vmem>>
        %dma_start3A_40 = tpu.memref_squeeze %dma_start3A_39 : memref<1x128xi32, #tpu.memory_space<vmem>> -> memref<128xi32, #tpu.memory_space<vmem>>
        %dma_start3A_41 = arith.constant 0 : i32
        %dma_start3A_42 = arith.constant 0 : i32
        %dma_start3A_43 = tpu.memref_slice %arg2[%dma_start3A_41, %dma_start3A_42] : memref<10240x128xf32, #tpu.memory_space<hbm>> -> memref<10240x128xf32, #tpu.memory_space<hbm>>
        tpu.enqueue_indirect_dma source(%dma_start3A_43 : memref<10240x128xf32, #tpu.memory_space<hbm>>) target(%arg11 : memref<128x128xf32, #tpu.memory_space<vmem>>) offsets(%dma_start3A_40 : memref<128xi32, #tpu.memory_space<vmem>>) semaphore(%run_scoped3A : memref<!tpu.dma_semaphore, #tpu.memory_space<semaphore_mem>>)
        %dma_wait3A = arith.constant 0 : i32
        %dma_wait3A_44 = tpu.memref_slice %arg9[%add3A_38, %dma_wait3A] : memref<90x128xi32, #tpu.memory_space<vmem>> -> memref<1x128xi32, #tpu.memory_space<vmem>>
        %dma_wait3A_45 = tpu.memref_squeeze %dma_wait3A_44 : memref<1x128xi32, #tpu.memory_space<vmem>> -> memref<128xi32, #tpu.memory_space<vmem>>
        %dma_wait3A_46 = arith.constant 0 : i32
        %dma_wait3A_47 = arith.constant 0 : i32
        %dma_wait3A_48 = tpu.memref_slice %arg2[%dma_wait3A_46, %dma_wait3A_47] : memref<10240x128xf32, #tpu.memory_space<hbm>> -> memref<10240x128xf32, #tpu.memory_space<hbm>>
        tpu.wait_indirect_dma semaphore(%run_scoped3A : memref<!tpu.dma_semaphore, #tpu.memory_space<semaphore_mem>>) src(%dma_wait3A_48 : memref<10240x128xf32, #tpu.memory_space<hbm>>) dst(%arg11 : memref<128x128xf32, #tpu.memory_space<vmem>>)
        tpu.yield
      }) : () -> ()
      "tpu.region"() ({
        %run_scoped3A = tpu.sem_alloc : memref<!tpu.dma_semaphore, #tpu.memory_space<semaphore_mem>>
        %dma_start3A = arith.constant 0 : i32
        %dma_start3A_39 = tpu.memref_slice %arg10[%add3A_38, %dma_start3A] : memref<90x128xi32, #tpu.memory_space<vmem>> -> memref<1x128xi32, #tpu.memory_space<vmem>>
        %dma_start3A_40 = tpu.memref_squeeze %dma_start3A_39 : memref<1x128xi32, #tpu.memory_space<vmem>> -> memref<128xi32, #tpu.memory_space<vmem>>
        %dma_start3A_41 = arith.constant 0 : i32
        %dma_start3A_42 = arith.constant 0 : i32
        %dma_start3A_43 = tpu.memref_slice %arg12[%dma_start3A_41, %dma_start3A_42] : memref<10240x128xf32, #tpu.memory_space<vmem_shared>> -> memref<10240x128xf32, #tpu.memory_space<vmem_shared>>
        tpu.enqueue_indirect_dma source(%arg11 : memref<128x128xf32, #tpu.memory_space<vmem>>) target(%dma_start3A_43 : memref<10240x128xf32, #tpu.memory_space<vmem_shared>>) offsets(%dma_start3A_40 : memref<128xi32, #tpu.memory_space<vmem>>) semaphore(%run_scoped3A : memref<!tpu.dma_semaphore, #tpu.memory_space<semaphore_mem>>) {add = true}
        %dma_wait3A = arith.constant 0 : i32
        %dma_wait3A_44 = tpu.memref_slice %arg10[%add3A_38, %dma_wait3A] : memref<90x128xi32, #tpu.memory_space<vmem>> -> memref<1x128xi32, #tpu.memory_space<vmem>>
        %dma_wait3A_45 = tpu.memref_squeeze %dma_wait3A_44 : memref<1x128xi32, #tpu.memory_space<vmem>> -> memref<128xi32, #tpu.memory_space<vmem>>
        %dma_wait3A_46 = arith.constant 0 : i32
        %dma_wait3A_47 = arith.constant 0 : i32
        %dma_wait3A_48 = tpu.memref_slice %arg12[%dma_wait3A_46, %dma_wait3A_47] : memref<10240x128xf32, #tpu.memory_space<vmem_shared>> -> memref<10240x128xf32, #tpu.memory_space<vmem_shared>>
        tpu.wait_indirect_dma semaphore(%run_scoped3A : memref<!tpu.dma_semaphore, #tpu.memory_space<semaphore_mem>>) src(%arg11 : memref<128x128xf32, #tpu.memory_space<vmem>>) dst(%dma_wait3A_48 : memref<10240x128xf32, #tpu.memory_space<vmem_shared>>)
        tpu.yield
      }) : () -> ()
    }
    %barrier3A_28 = arith.constant 0 : index
    tpu.barrier barrier_id(%barrier3A_28)
    %mul3A_29 = arith.constant 640 : i32
    %mul3A_30 = arith.muli %arg1, %mul3A_29 : i32
    %mul3A_31 = arith.constant 10240 : i32
    %mul3A_32 = arith.muli %arg0, %mul3A_31 : i32
    %mul3A_33 = arith.constant 640 : i32
    %mul3A_34 = arith.muli %arg1, %mul3A_33 : i32
    %add3A_35 = arith.addi %mul3A_32, %mul3A_34 : i32
    "tpu.region"() ({
      %run_scoped3A = tpu.sem_alloc : memref<!tpu.dma_semaphore, #tpu.memory_space<semaphore_mem>>
      %dma_start3A = arith.constant 0 : i32
      %dma_start3A_36 = tpu.memref_slice %arg8[%add3A_35, %dma_start3A] : memref<20480x128xf32, #tpu.memory_space<hbm>> -> memref<640x128xf32, #tpu.memory_space<hbm>>
      %dma_start3A_37 = arith.constant 0 : i32
      %dma_start3A_38 = tpu.memref_slice %arg12[%mul3A_30, %dma_start3A_37] : memref<10240x128xf32, #tpu.memory_space<vmem_shared>> -> memref<640x128xf32, #tpu.memory_space<vmem_shared>>
      tpu.enqueue_dma source(%dma_start3A_38 : memref<640x128xf32, #tpu.memory_space<vmem_shared>>) target(%dma_start3A_36 : memref<640x128xf32, #tpu.memory_space<hbm>>) target_semaphore(%run_scoped3A : memref<!tpu.dma_semaphore, #tpu.memory_space<semaphore_mem>>)
      %dma_wait3A = arith.constant 0 : i32
      %dma_wait3A_39 = tpu.memref_slice %arg8[%add3A_35, %dma_wait3A] : memref<20480x128xf32, #tpu.memory_space<hbm>> -> memref<640x128xf32, #tpu.memory_space<hbm>>
      %dma_wait3A_40 = arith.constant 0 : i32
      %dma_wait3A_41 = tpu.memref_slice %arg12[%mul3A_30, %dma_wait3A_40] : memref<10240x128xf32, #tpu.memory_space<vmem_shared>> -> memref<640x128xf32, #tpu.memory_space<vmem_shared>>
      tpu.wait_dma2 semaphore(%run_scoped3A : memref<!tpu.dma_semaphore, #tpu.memory_space<semaphore_mem>>) src(%dma_wait3A_41 : memref<640x128xf32, #tpu.memory_space<vmem_shared>>) dst(%dma_wait3A_39 : memref<640x128xf32, #tpu.memory_space<hbm>>)
      tpu.yield
    }) : () -> ()
    return
  }
}

#map = affine_map<(d0, d1) -> (0, 0, 0)>
#map1 = affine_map<(d0, d1) -> (0, 0)>
module attributes {stable_mosaic.version = 14 : i64} {
  func.func @deg_kernel(%arg0: i32, %arg1: i32, %arg2: memref<32x79x128xi32, #tpu.memory_space<hbm>>, %arg3: memref<128x128xf32, #tpu.memory_space<hbm>>, %arg4: memref<10240x128xf32, #tpu.memory_space<hbm>>, %arg5: memref<20480x128xf32, #tpu.memory_space<hbm>>, %arg6: memref<79x128xi32, #tpu.memory_space<vmem>>, %arg7: memref<128x128xf32, #tpu.memory_space<vmem>>, %arg8: memref<10240x128xf32, #tpu.memory_space<vmem_shared>>) attributes {dimension_semantics = [#tpu.dimension_semantics<core_parallel>, #tpu.dimension_semantics<subcore_parallel>], iteration_bounds = array<i64: 2, 16>, scalar_prefetch = 0 : i64, scratch_operands = 3 : i64, tpu.core_type = #tpu.core_type<sc_vector_subcore>, window_params = [{transform_indices = #map}, {transform_indices = #map1}, {transform_indices = #map1}, {transform_indices = #map1}]} {
    %mul3A = arith.constant 16 : i32
    %mul3A_0 = arith.muli %arg0, %mul3A : i32
    %add3A = arith.addi %mul3A_0, %arg1 : i32
    "tpu.region"() ({
      %run_scoped3A = tpu.sem_alloc : memref<!tpu.dma_semaphore, #tpu.memory_space<semaphore_mem>>
      %dma_start3A = arith.constant 0 : i32
      %dma_start3A_17 = arith.constant 0 : i32
      %dma_start3A_18 = tpu.memref_slice %arg2[%add3A, %dma_start3A, %dma_start3A_17] : memref<32x79x128xi32, #tpu.memory_space<hbm>> -> memref<1x79x128xi32, #tpu.memory_space<hbm>>
      %dma_start3A_19 = tpu.memref_squeeze %dma_start3A_18 : memref<1x79x128xi32, #tpu.memory_space<hbm>> -> memref<79x128xi32, #tpu.memory_space<hbm>>
      %dma_start3A_20 = arith.constant 0 : i32
      %dma_start3A_21 = arith.constant 0 : i32
      %dma_start3A_22 = tpu.memref_slice %arg2[%add3A, %dma_start3A_20, %dma_start3A_21] : memref<32x79x128xi32, #tpu.memory_space<hbm>> -> memref<1x79x128xi32, #tpu.memory_space<hbm>>
      %dma_start3A_23 = tpu.memref_squeeze %dma_start3A_22 : memref<1x79x128xi32, #tpu.memory_space<hbm>> -> memref<79x128xi32, #tpu.memory_space<hbm>>
      tpu.enqueue_dma source(%dma_start3A_23 : memref<79x128xi32, #tpu.memory_space<hbm>>) target(%arg6 : memref<79x128xi32, #tpu.memory_space<vmem>>) target_semaphore(%run_scoped3A : memref<!tpu.dma_semaphore, #tpu.memory_space<semaphore_mem>>)
      %dma_wait3A = arith.constant 0 : i32
      %dma_wait3A_24 = arith.constant 0 : i32
      %dma_wait3A_25 = tpu.memref_slice %arg2[%add3A, %dma_wait3A, %dma_wait3A_24] : memref<32x79x128xi32, #tpu.memory_space<hbm>> -> memref<1x79x128xi32, #tpu.memory_space<hbm>>
      %dma_wait3A_26 = tpu.memref_squeeze %dma_wait3A_25 : memref<1x79x128xi32, #tpu.memory_space<hbm>> -> memref<79x128xi32, #tpu.memory_space<hbm>>
      %dma_wait3A_27 = arith.constant 0 : i32
      %dma_wait3A_28 = arith.constant 0 : i32
      %dma_wait3A_29 = tpu.memref_slice %arg2[%add3A, %dma_wait3A_27, %dma_wait3A_28] : memref<32x79x128xi32, #tpu.memory_space<hbm>> -> memref<1x79x128xi32, #tpu.memory_space<hbm>>
      %dma_wait3A_30 = tpu.memref_squeeze %dma_wait3A_29 : memref<1x79x128xi32, #tpu.memory_space<hbm>> -> memref<79x128xi32, #tpu.memory_space<hbm>>
      tpu.wait_dma2 semaphore(%run_scoped3A : memref<!tpu.dma_semaphore, #tpu.memory_space<semaphore_mem>>) src(%dma_wait3A_30 : memref<79x128xi32, #tpu.memory_space<hbm>>) dst(%arg6 : memref<79x128xi32, #tpu.memory_space<vmem>>)
      tpu.yield
    }) : () -> ()
    "tpu.region"() ({
      %run_scoped3A = tpu.sem_alloc : memref<!tpu.dma_semaphore, #tpu.memory_space<semaphore_mem>>
      tpu.enqueue_dma source(%arg3 : memref<128x128xf32, #tpu.memory_space<hbm>>) target(%arg7 : memref<128x128xf32, #tpu.memory_space<vmem>>) target_semaphore(%run_scoped3A : memref<!tpu.dma_semaphore, #tpu.memory_space<semaphore_mem>>)
      tpu.wait_dma2 semaphore(%run_scoped3A : memref<!tpu.dma_semaphore, #tpu.memory_space<semaphore_mem>>) src(%arg3 : memref<128x128xf32, #tpu.memory_space<hbm>>) dst(%arg7 : memref<128x128xf32, #tpu.memory_space<vmem>>)
      tpu.yield
    }) : () -> ()
    %mul3A_1 = arith.constant 640 : i32
    %mul3A_2 = arith.muli %arg1, %mul3A_1 : i32
    %mul3A_3 = arith.constant 640 : i32
    %mul3A_4 = arith.muli %arg1, %mul3A_3 : i32
    "tpu.region"() ({
      %run_scoped3A = tpu.sem_alloc : memref<!tpu.dma_semaphore, #tpu.memory_space<semaphore_mem>>
      %dma_start3A = arith.constant 0 : i32
      %dma_start3A_17 = tpu.memref_slice %arg8[%mul3A_4, %dma_start3A] : memref<10240x128xf32, #tpu.memory_space<vmem_shared>> -> memref<640x128xf32, #tpu.memory_space<vmem_shared>>
      %dma_start3A_18 = arith.constant 0 : i32
      %dma_start3A_19 = tpu.memref_slice %arg4[%mul3A_2, %dma_start3A_18] : memref<10240x128xf32, #tpu.memory_space<hbm>> -> memref<640x128xf32, #tpu.memory_space<hbm>>
      tpu.enqueue_dma source(%dma_start3A_19 : memref<640x128xf32, #tpu.memory_space<hbm>>) target(%dma_start3A_17 : memref<640x128xf32, #tpu.memory_space<vmem_shared>>) target_semaphore(%run_scoped3A : memref<!tpu.dma_semaphore, #tpu.memory_space<semaphore_mem>>)
      %dma_wait3A = arith.constant 0 : i32
      %dma_wait3A_20 = tpu.memref_slice %arg8[%mul3A_4, %dma_wait3A] : memref<10240x128xf32, #tpu.memory_space<vmem_shared>> -> memref<640x128xf32, #tpu.memory_space<vmem_shared>>
      %dma_wait3A_21 = arith.constant 0 : i32
      %dma_wait3A_22 = tpu.memref_slice %arg4[%mul3A_2, %dma_wait3A_21] : memref<10240x128xf32, #tpu.memory_space<hbm>> -> memref<640x128xf32, #tpu.memory_space<hbm>>
      tpu.wait_dma2 semaphore(%run_scoped3A : memref<!tpu.dma_semaphore, #tpu.memory_space<semaphore_mem>>) src(%dma_wait3A_22 : memref<640x128xf32, #tpu.memory_space<hbm>>) dst(%dma_wait3A_20 : memref<640x128xf32, #tpu.memory_space<vmem_shared>>)
      tpu.yield
    }) : () -> ()
    %barrier3A = arith.constant 0 : index
    tpu.barrier barrier_id(%barrier3A)
    %scan3A = arith.constant 0 : i32
    %scan3A_5 = arith.constant 79 : i32
    %scan3A_6 = arith.addi %scan3A, %scan3A_5 : i32
    %scan3A_7 = arith.constant 1 : i32
    scf.for %scan3A_17 = %scan3A to %scan3A_6 step %scan3A_7  : i32 {
      %mul3A_18 = arith.constant 1 : i32
      %mul3A_19 = arith.muli %scan3A_17, %mul3A_18 : i32
      %add3A_20 = arith.constant 0 : i32
      %add3A_21 = arith.addi %add3A_20, %mul3A_19 : i32
      "tpu.region"() ({
        %run_scoped3A = tpu.sem_alloc : memref<!tpu.dma_semaphore, #tpu.memory_space<semaphore_mem>>
        %dma_start3A = arith.constant 0 : i32
        %dma_start3A_22 = tpu.memref_slice %arg6[%add3A_21, %dma_start3A] : memref<79x128xi32, #tpu.memory_space<vmem>> -> memref<1x128xi32, #tpu.memory_space<vmem>>
        %dma_start3A_23 = tpu.memref_squeeze %dma_start3A_22 : memref<1x128xi32, #tpu.memory_space<vmem>> -> memref<128xi32, #tpu.memory_space<vmem>>
        %dma_start3A_24 = arith.constant 0 : i32
        %dma_start3A_25 = arith.constant 0 : i32
        %dma_start3A_26 = tpu.memref_slice %arg8[%dma_start3A_24, %dma_start3A_25] : memref<10240x128xf32, #tpu.memory_space<vmem_shared>> -> memref<10240x128xf32, #tpu.memory_space<vmem_shared>>
        tpu.enqueue_indirect_dma source(%arg7 : memref<128x128xf32, #tpu.memory_space<vmem>>) target(%dma_start3A_26 : memref<10240x128xf32, #tpu.memory_space<vmem_shared>>) offsets(%dma_start3A_23 : memref<128xi32, #tpu.memory_space<vmem>>) semaphore(%run_scoped3A : memref<!tpu.dma_semaphore, #tpu.memory_space<semaphore_mem>>) {add = true}
        %dma_wait3A = arith.constant 0 : i32
        %dma_wait3A_27 = tpu.memref_slice %arg6[%add3A_21, %dma_wait3A] : memref<79x128xi32, #tpu.memory_space<vmem>> -> memref<1x128xi32, #tpu.memory_space<vmem>>
        %dma_wait3A_28 = tpu.memref_squeeze %dma_wait3A_27 : memref<1x128xi32, #tpu.memory_space<vmem>> -> memref<128xi32, #tpu.memory_space<vmem>>
        %dma_wait3A_29 = arith.constant 0 : i32
        %dma_wait3A_30 = arith.constant 0 : i32
        %dma_wait3A_31 = tpu.memref_slice %arg8[%dma_wait3A_29, %dma_wait3A_30] : memref<10240x128xf32, #tpu.memory_space<vmem_shared>> -> memref<10240x128xf32, #tpu.memory_space<vmem_shared>>
        tpu.wait_indirect_dma semaphore(%run_scoped3A : memref<!tpu.dma_semaphore, #tpu.memory_space<semaphore_mem>>) src(%arg7 : memref<128x128xf32, #tpu.memory_space<vmem>>) dst(%dma_wait3A_31 : memref<10240x128xf32, #tpu.memory_space<vmem_shared>>)
        tpu.yield
      }) : () -> ()
    }
    %scan3A_8 = arith.constant 79 : i32
    %barrier3A_9 = arith.constant 0 : index
    tpu.barrier barrier_id(%barrier3A_9)
    %mul3A_10 = arith.constant 640 : i32
    %mul3A_11 = arith.muli %arg1, %mul3A_10 : i32
    %mul3A_12 = arith.constant 10240 : i32
    %mul3A_13 = arith.muli %arg0, %mul3A_12 : i32
    %mul3A_14 = arith.constant 640 : i32
    %mul3A_15 = arith.muli %arg1, %mul3A_14 : i32
    %add3A_16 = arith.addi %mul3A_13, %mul3A_15 : i32
    "tpu.region"() ({
      %run_scoped3A = tpu.sem_alloc : memref<!tpu.dma_semaphore, #tpu.memory_space<semaphore_mem>>
      %dma_start3A = arith.constant 0 : i32
      %dma_start3A_17 = tpu.memref_slice %arg5[%add3A_16, %dma_start3A] : memref<20480x128xf32, #tpu.memory_space<hbm>> -> memref<640x128xf32, #tpu.memory_space<hbm>>
      %dma_start3A_18 = arith.constant 0 : i32
      %dma_start3A_19 = tpu.memref_slice %arg8[%mul3A_11, %dma_start3A_18] : memref<10240x128xf32, #tpu.memory_space<vmem_shared>> -> memref<640x128xf32, #tpu.memory_space<vmem_shared>>
      tpu.enqueue_dma source(%dma_start3A_19 : memref<640x128xf32, #tpu.memory_space<vmem_shared>>) target(%dma_start3A_17 : memref<640x128xf32, #tpu.memory_space<hbm>>) target_semaphore(%run_scoped3A : memref<!tpu.dma_semaphore, #tpu.memory_space<semaphore_mem>>)
      %dma_wait3A = arith.constant 0 : i32
      %dma_wait3A_20 = tpu.memref_slice %arg5[%add3A_16, %dma_wait3A] : memref<20480x128xf32, #tpu.memory_space<hbm>> -> memref<640x128xf32, #tpu.memory_space<hbm>>
      %dma_wait3A_21 = arith.constant 0 : i32
      %dma_wait3A_22 = tpu.memref_slice %arg8[%mul3A_11, %dma_wait3A_21] : memref<10240x128xf32, #tpu.memory_space<vmem_shared>> -> memref<640x128xf32, #tpu.memory_space<vmem_shared>>
      tpu.wait_dma2 semaphore(%run_scoped3A : memref<!tpu.dma_semaphore, #tpu.memory_space<semaphore_mem>>) src(%dma_wait3A_22 : memref<640x128xf32, #tpu.memory_space<vmem_shared>>) dst(%dma_wait3A_20 : memref<640x128xf32, #tpu.memory_space<hbm>>)
      tpu.yield
    }) : () -> ()
    return
  }
}

#map = affine_map<(d0, d1) -> (0, 0)>
#map1 = affine_map<(d0, d1) -> (0, 0, 0)>
module attributes {stable_mosaic.version = 14 : i64} {
  func.func @layer_kernel(%arg0: i32, %arg1: i32, %arg2: memref<10240x128xf32, #tpu.memory_space<hbm>>, %arg3: memref<16x90x128xi32, #tpu.memory_space<hbm>>, %arg4: memref<16x90x128xi32, #tpu.memory_space<hbm>>, %arg5: memref<16x67x128xi32, #tpu.memory_space<hbm>>, %arg6: memref<16x67x128xi32, #tpu.memory_space<hbm>>, %arg7: memref<10240x128xf32, #tpu.memory_space<hbm>>, %arg8: memref<20480x128xf32, #tpu.memory_space<hbm>>, %arg9: memref<90x128xi32, #tpu.memory_space<vmem>>, %arg10: memref<90x128xi32, #tpu.memory_space<vmem>>, %arg11: memref<128x128xf32, #tpu.memory_space<vmem>>, %arg12: memref<10240x128xf32, #tpu.memory_space<vmem_shared>>) attributes {dimension_semantics = [#tpu.dimension_semantics<core_parallel>, #tpu.dimension_semantics<subcore_parallel>], iteration_bounds = array<i64: 2, 16>, scalar_prefetch = 0 : i64, scratch_operands = 4 : i64, tpu.core_type = #tpu.core_type<sc_vector_subcore>, window_params = [{transform_indices = #map}, {transform_indices = #map1}, {transform_indices = #map1}, {transform_indices = #map1}, {transform_indices = #map1}, {transform_indices = #map}, {transform_indices = #map}]} {
    %mul3A = arith.constant 640 : i32
    %mul3A_0 = arith.muli %arg1, %mul3A : i32
    %mul3A_1 = arith.constant 640 : i32
    %mul3A_2 = arith.muli %arg1, %mul3A_1 : i32
    "tpu.region"() ({
      %run_scoped3A = tpu.sem_alloc : memref<!tpu.dma_semaphore, #tpu.memory_space<semaphore_mem>>
      %dma_start3A = arith.constant 0 : i32
      %dma_start3A_36 = tpu.memref_slice %arg12[%mul3A_2, %dma_start3A] : memref<10240x128xf32, #tpu.memory_space<vmem_shared>> -> memref<640x128xf32, #tpu.memory_space<vmem_shared>>
      %dma_start3A_37 = arith.constant 0 : i32
      %dma_start3A_38 = tpu.memref_slice %arg7[%mul3A_0, %dma_start3A_37] : memref<10240x128xf32, #tpu.memory_space<hbm>> -> memref<640x128xf32, #tpu.memory_space<hbm>>
      tpu.enqueue_dma source(%dma_start3A_38 : memref<640x128xf32, #tpu.memory_space<hbm>>) target(%dma_start3A_36 : memref<640x128xf32, #tpu.memory_space<vmem_shared>>) target_semaphore(%run_scoped3A : memref<!tpu.dma_semaphore, #tpu.memory_space<semaphore_mem>>)
      %dma_wait3A = arith.constant 0 : i32
      %dma_wait3A_39 = tpu.memref_slice %arg12[%mul3A_2, %dma_wait3A] : memref<10240x128xf32, #tpu.memory_space<vmem_shared>> -> memref<640x128xf32, #tpu.memory_space<vmem_shared>>
      %dma_wait3A_40 = arith.constant 0 : i32
      %dma_wait3A_41 = tpu.memref_slice %arg7[%mul3A_0, %dma_wait3A_40] : memref<10240x128xf32, #tpu.memory_space<hbm>> -> memref<640x128xf32, #tpu.memory_space<hbm>>
      tpu.wait_dma2 semaphore(%run_scoped3A : memref<!tpu.dma_semaphore, #tpu.memory_space<semaphore_mem>>) src(%dma_wait3A_41 : memref<640x128xf32, #tpu.memory_space<hbm>>) dst(%dma_wait3A_39 : memref<640x128xf32, #tpu.memory_space<vmem_shared>>)
      tpu.yield
    }) : () -> ()
    %eq3A = arith.constant 0 : i32
    %eq3A_3 = arith.cmpi eq, %arg0, %eq3A : i32
    %convert_element_type3A = arith.extui %eq3A_3 : i1 to i32
    %cond3A = arith.constant 0 : i32
    %cond3A_4 = arith.cmpi ne, %convert_element_type3A, %cond3A : i32
    scf.if %cond3A_4 {
      "tpu.region"() ({
        %run_scoped3A = tpu.sem_alloc : memref<!tpu.dma_semaphore, #tpu.memory_space<semaphore_mem>>
        %dma_start3A = arith.constant 0 : i32
        %dma_start3A_36 = arith.constant 0 : i32
        %dma_start3A_37 = tpu.memref_slice %arg9[%dma_start3A, %dma_start3A_36] : memref<90x128xi32, #tpu.memory_space<vmem>> -> memref<90x128xi32, #tpu.memory_space<vmem>>
        %dma_start3A_38 = arith.constant 0 : i32
        %dma_start3A_39 = arith.constant 0 : i32
        %dma_start3A_40 = tpu.memref_slice %arg3[%arg1, %dma_start3A_38, %dma_start3A_39] : memref<16x90x128xi32, #tpu.memory_space<hbm>> -> memref<1x90x128xi32, #tpu.memory_space<hbm>>
        %dma_start3A_41 = tpu.memref_squeeze %dma_start3A_40 : memref<1x90x128xi32, #tpu.memory_space<hbm>> -> memref<90x128xi32, #tpu.memory_space<hbm>>
        %dma_start3A_42 = arith.constant 0 : i32
        %dma_start3A_43 = arith.constant 0 : i32
        %dma_start3A_44 = tpu.memref_slice %arg9[%dma_start3A_42, %dma_start3A_43] : memref<90x128xi32, #tpu.memory_space<vmem>> -> memref<90x128xi32, #tpu.memory_space<vmem>>
        %dma_start3A_45 = arith.constant 0 : i32
        %dma_start3A_46 = arith.constant 0 : i32
        %dma_start3A_47 = tpu.memref_slice %arg3[%arg1, %dma_start3A_45, %dma_start3A_46] : memref<16x90x128xi32, #tpu.memory_space<hbm>> -> memref<1x90x128xi32, #tpu.memory_space<hbm>>
        %dma_start3A_48 = tpu.memref_squeeze %dma_start3A_47 : memref<1x90x128xi32, #tpu.memory_space<hbm>> -> memref<90x128xi32, #tpu.memory_space<hbm>>
        tpu.enqueue_dma source(%dma_start3A_48 : memref<90x128xi32, #tpu.memory_space<hbm>>) target(%dma_start3A_44 : memref<90x128xi32, #tpu.memory_space<vmem>>) target_semaphore(%run_scoped3A : memref<!tpu.dma_semaphore, #tpu.memory_space<semaphore_mem>>)
        %dma_wait3A = arith.constant 0 : i32
        %dma_wait3A_49 = arith.constant 0 : i32
        %dma_wait3A_50 = tpu.memref_slice %arg9[%dma_wait3A, %dma_wait3A_49] : memref<90x128xi32, #tpu.memory_space<vmem>> -> memref<90x128xi32, #tpu.memory_space<vmem>>
        %dma_wait3A_51 = arith.constant 0 : i32
        %dma_wait3A_52 = arith.constant 0 : i32
        %dma_wait3A_53 = tpu.memref_slice %arg3[%arg1, %dma_wait3A_51, %dma_wait3A_52] : memref<16x90x128xi32, #tpu.memory_space<hbm>> -> memref<1x90x128xi32, #tpu.memory_space<hbm>>
        %dma_wait3A_54 = tpu.memref_squeeze %dma_wait3A_53 : memref<1x90x128xi32, #tpu.memory_space<hbm>> -> memref<90x128xi32, #tpu.memory_space<hbm>>
        %dma_wait3A_55 = arith.constant 0 : i32
        %dma_wait3A_56 = arith.constant 0 : i32
        %dma_wait3A_57 = tpu.memref_slice %arg9[%dma_wait3A_55, %dma_wait3A_56] : memref<90x128xi32, #tpu.memory_space<vmem>> -> memref<90x128xi32, #tpu.memory_space<vmem>>
        %dma_wait3A_58 = arith.constant 0 : i32
        %dma_wait3A_59 = arith.constant 0 : i32
        %dma_wait3A_60 = tpu.memref_slice %arg3[%arg1, %dma_wait3A_58, %dma_wait3A_59] : memref<16x90x128xi32, #tpu.memory_space<hbm>> -> memref<1x90x128xi32, #tpu.memory_space<hbm>>
        %dma_wait3A_61 = tpu.memref_squeeze %dma_wait3A_60 : memref<1x90x128xi32, #tpu.memory_space<hbm>> -> memref<90x128xi32, #tpu.memory_space<hbm>>
        tpu.wait_dma2 semaphore(%run_scoped3A : memref<!tpu.dma_semaphore, #tpu.memory_space<semaphore_mem>>) src(%dma_wait3A_61 : memref<90x128xi32, #tpu.memory_space<hbm>>) dst(%dma_wait3A_57 : memref<90x128xi32, #tpu.memory_space<vmem>>)
        tpu.yield
      }) : () -> ()
      "tpu.region"() ({
        %run_scoped3A = tpu.sem_alloc : memref<!tpu.dma_semaphore, #tpu.memory_space<semaphore_mem>>
        %dma_start3A = arith.constant 0 : i32
        %dma_start3A_36 = arith.constant 0 : i32
        %dma_start3A_37 = tpu.memref_slice %arg10[%dma_start3A, %dma_start3A_36] : memref<90x128xi32, #tpu.memory_space<vmem>> -> memref<90x128xi32, #tpu.memory_space<vmem>>
        %dma_start3A_38 = arith.constant 0 : i32
        %dma_start3A_39 = arith.constant 0 : i32
        %dma_start3A_40 = tpu.memref_slice %arg4[%arg1, %dma_start3A_38, %dma_start3A_39] : memref<16x90x128xi32, #tpu.memory_space<hbm>> -> memref<1x90x128xi32, #tpu.memory_space<hbm>>
        %dma_start3A_41 = tpu.memref_squeeze %dma_start3A_40 : memref<1x90x128xi32, #tpu.memory_space<hbm>> -> memref<90x128xi32, #tpu.memory_space<hbm>>
        %dma_start3A_42 = arith.constant 0 : i32
        %dma_start3A_43 = arith.constant 0 : i32
        %dma_start3A_44 = tpu.memref_slice %arg10[%dma_start3A_42, %dma_start3A_43] : memref<90x128xi32, #tpu.memory_space<vmem>> -> memref<90x128xi32, #tpu.memory_space<vmem>>
        %dma_start3A_45 = arith.constant 0 : i32
        %dma_start3A_46 = arith.constant 0 : i32
        %dma_start3A_47 = tpu.memref_slice %arg4[%arg1, %dma_start3A_45, %dma_start3A_46] : memref<16x90x128xi32, #tpu.memory_space<hbm>> -> memref<1x90x128xi32, #tpu.memory_space<hbm>>
        %dma_start3A_48 = tpu.memref_squeeze %dma_start3A_47 : memref<1x90x128xi32, #tpu.memory_space<hbm>> -> memref<90x128xi32, #tpu.memory_space<hbm>>
        tpu.enqueue_dma source(%dma_start3A_48 : memref<90x128xi32, #tpu.memory_space<hbm>>) target(%dma_start3A_44 : memref<90x128xi32, #tpu.memory_space<vmem>>) target_semaphore(%run_scoped3A : memref<!tpu.dma_semaphore, #tpu.memory_space<semaphore_mem>>)
        %dma_wait3A = arith.constant 0 : i32
        %dma_wait3A_49 = arith.constant 0 : i32
        %dma_wait3A_50 = tpu.memref_slice %arg10[%dma_wait3A, %dma_wait3A_49] : memref<90x128xi32, #tpu.memory_space<vmem>> -> memref<90x128xi32, #tpu.memory_space<vmem>>
        %dma_wait3A_51 = arith.constant 0 : i32
        %dma_wait3A_52 = arith.constant 0 : i32
        %dma_wait3A_53 = tpu.memref_slice %arg4[%arg1, %dma_wait3A_51, %dma_wait3A_52] : memref<16x90x128xi32, #tpu.memory_space<hbm>> -> memref<1x90x128xi32, #tpu.memory_space<hbm>>
        %dma_wait3A_54 = tpu.memref_squeeze %dma_wait3A_53 : memref<1x90x128xi32, #tpu.memory_space<hbm>> -> memref<90x128xi32, #tpu.memory_space<hbm>>
        %dma_wait3A_55 = arith.constant 0 : i32
        %dma_wait3A_56 = arith.constant 0 : i32
        %dma_wait3A_57 = tpu.memref_slice %arg10[%dma_wait3A_55, %dma_wait3A_56] : memref<90x128xi32, #tpu.memory_space<vmem>> -> memref<90x128xi32, #tpu.memory_space<vmem>>
        %dma_wait3A_58 = arith.constant 0 : i32
        %dma_wait3A_59 = arith.constant 0 : i32
        %dma_wait3A_60 = tpu.memref_slice %arg4[%arg1, %dma_wait3A_58, %dma_wait3A_59] : memref<16x90x128xi32, #tpu.memory_space<hbm>> -> memref<1x90x128xi32, #tpu.memory_space<hbm>>
        %dma_wait3A_61 = tpu.memref_squeeze %dma_wait3A_60 : memref<1x90x128xi32, #tpu.memory_space<hbm>> -> memref<90x128xi32, #tpu.memory_space<hbm>>
        tpu.wait_dma2 semaphore(%run_scoped3A : memref<!tpu.dma_semaphore, #tpu.memory_space<semaphore_mem>>) src(%dma_wait3A_61 : memref<90x128xi32, #tpu.memory_space<hbm>>) dst(%dma_wait3A_57 : memref<90x128xi32, #tpu.memory_space<vmem>>)
        tpu.yield
      }) : () -> ()
    } else {
    }
    %eq3A_5 = arith.constant 1 : i32
    %eq3A_6 = arith.cmpi eq, %arg0, %eq3A_5 : i32
    %convert_element_type3A_7 = arith.extui %eq3A_6 : i1 to i32
    %cond3A_8 = arith.constant 0 : i32
    %cond3A_9 = arith.cmpi ne, %convert_element_type3A_7, %cond3A_8 : i32
    scf.if %cond3A_9 {
      "tpu.region"() ({
        %run_scoped3A = tpu.sem_alloc : memref<!tpu.dma_semaphore, #tpu.memory_space<semaphore_mem>>
        %dma_start3A = arith.constant 0 : i32
        %dma_start3A_36 = arith.constant 0 : i32
        %dma_start3A_37 = tpu.memref_slice %arg9[%dma_start3A, %dma_start3A_36] : memref<90x128xi32, #tpu.memory_space<vmem>> -> memref<67x128xi32, #tpu.memory_space<vmem>>
        %dma_start3A_38 = arith.constant 0 : i32
        %dma_start3A_39 = arith.constant 0 : i32
        %dma_start3A_40 = tpu.memref_slice %arg5[%arg1, %dma_start3A_38, %dma_start3A_39] : memref<16x67x128xi32, #tpu.memory_space<hbm>> -> memref<1x67x128xi32, #tpu.memory_space<hbm>>
        %dma_start3A_41 = tpu.memref_squeeze %dma_start3A_40 : memref<1x67x128xi32, #tpu.memory_space<hbm>> -> memref<67x128xi32, #tpu.memory_space<hbm>>
        %dma_start3A_42 = arith.constant 0 : i32
        %dma_start3A_43 = arith.constant 0 : i32
        %dma_start3A_44 = tpu.memref_slice %arg9[%dma_start3A_42, %dma_start3A_43] : memref<90x128xi32, #tpu.memory_space<vmem>> -> memref<67x128xi32, #tpu.memory_space<vmem>>
        %dma_start3A_45 = arith.constant 0 : i32
        %dma_start3A_46 = arith.constant 0 : i32
        %dma_start3A_47 = tpu.memref_slice %arg5[%arg1, %dma_start3A_45, %dma_start3A_46] : memref<16x67x128xi32, #tpu.memory_space<hbm>> -> memref<1x67x128xi32, #tpu.memory_space<hbm>>
        %dma_start3A_48 = tpu.memref_squeeze %dma_start3A_47 : memref<1x67x128xi32, #tpu.memory_space<hbm>> -> memref<67x128xi32, #tpu.memory_space<hbm>>
        tpu.enqueue_dma source(%dma_start3A_48 : memref<67x128xi32, #tpu.memory_space<hbm>>) target(%dma_start3A_44 : memref<67x128xi32, #tpu.memory_space<vmem>>) target_semaphore(%run_scoped3A : memref<!tpu.dma_semaphore, #tpu.memory_space<semaphore_mem>>)
        %dma_wait3A = arith.constant 0 : i32
        %dma_wait3A_49 = arith.constant 0 : i32
        %dma_wait3A_50 = tpu.memref_slice %arg9[%dma_wait3A, %dma_wait3A_49] : memref<90x128xi32, #tpu.memory_space<vmem>> -> memref<67x128xi32, #tpu.memory_space<vmem>>
        %dma_wait3A_51 = arith.constant 0 : i32
        %dma_wait3A_52 = arith.constant 0 : i32
        %dma_wait3A_53 = tpu.memref_slice %arg5[%arg1, %dma_wait3A_51, %dma_wait3A_52] : memref<16x67x128xi32, #tpu.memory_space<hbm>> -> memref<1x67x128xi32, #tpu.memory_space<hbm>>
        %dma_wait3A_54 = tpu.memref_squeeze %dma_wait3A_53 : memref<1x67x128xi32, #tpu.memory_space<hbm>> -> memref<67x128xi32, #tpu.memory_space<hbm>>
        %dma_wait3A_55 = arith.constant 0 : i32
        %dma_wait3A_56 = arith.constant 0 : i32
        %dma_wait3A_57 = tpu.memref_slice %arg9[%dma_wait3A_55, %dma_wait3A_56] : memref<90x128xi32, #tpu.memory_space<vmem>> -> memref<67x128xi32, #tpu.memory_space<vmem>>
        %dma_wait3A_58 = arith.constant 0 : i32
        %dma_wait3A_59 = arith.constant 0 : i32
        %dma_wait3A_60 = tpu.memref_slice %arg5[%arg1, %dma_wait3A_58, %dma_wait3A_59] : memref<16x67x128xi32, #tpu.memory_space<hbm>> -> memref<1x67x128xi32, #tpu.memory_space<hbm>>
        %dma_wait3A_61 = tpu.memref_squeeze %dma_wait3A_60 : memref<1x67x128xi32, #tpu.memory_space<hbm>> -> memref<67x128xi32, #tpu.memory_space<hbm>>
        tpu.wait_dma2 semaphore(%run_scoped3A : memref<!tpu.dma_semaphore, #tpu.memory_space<semaphore_mem>>) src(%dma_wait3A_61 : memref<67x128xi32, #tpu.memory_space<hbm>>) dst(%dma_wait3A_57 : memref<67x128xi32, #tpu.memory_space<vmem>>)
        tpu.yield
      }) : () -> ()
      "tpu.region"() ({
        %run_scoped3A = tpu.sem_alloc : memref<!tpu.dma_semaphore, #tpu.memory_space<semaphore_mem>>
        %dma_start3A = arith.constant 0 : i32
        %dma_start3A_36 = arith.constant 0 : i32
        %dma_start3A_37 = tpu.memref_slice %arg10[%dma_start3A, %dma_start3A_36] : memref<90x128xi32, #tpu.memory_space<vmem>> -> memref<67x128xi32, #tpu.memory_space<vmem>>
        %dma_start3A_38 = arith.constant 0 : i32
        %dma_start3A_39 = arith.constant 0 : i32
        %dma_start3A_40 = tpu.memref_slice %arg6[%arg1, %dma_start3A_38, %dma_start3A_39] : memref<16x67x128xi32, #tpu.memory_space<hbm>> -> memref<1x67x128xi32, #tpu.memory_space<hbm>>
        %dma_start3A_41 = tpu.memref_squeeze %dma_start3A_40 : memref<1x67x128xi32, #tpu.memory_space<hbm>> -> memref<67x128xi32, #tpu.memory_space<hbm>>
        %dma_start3A_42 = arith.constant 0 : i32
        %dma_start3A_43 = arith.constant 0 : i32
        %dma_start3A_44 = tpu.memref_slice %arg10[%dma_start3A_42, %dma_start3A_43] : memref<90x128xi32, #tpu.memory_space<vmem>> -> memref<67x128xi32, #tpu.memory_space<vmem>>
        %dma_start3A_45 = arith.constant 0 : i32
        %dma_start3A_46 = arith.constant 0 : i32
        %dma_start3A_47 = tpu.memref_slice %arg6[%arg1, %dma_start3A_45, %dma_start3A_46] : memref<16x67x128xi32, #tpu.memory_space<hbm>> -> memref<1x67x128xi32, #tpu.memory_space<hbm>>
        %dma_start3A_48 = tpu.memref_squeeze %dma_start3A_47 : memref<1x67x128xi32, #tpu.memory_space<hbm>> -> memref<67x128xi32, #tpu.memory_space<hbm>>
        tpu.enqueue_dma source(%dma_start3A_48 : memref<67x128xi32, #tpu.memory_space<hbm>>) target(%dma_start3A_44 : memref<67x128xi32, #tpu.memory_space<vmem>>) target_semaphore(%run_scoped3A : memref<!tpu.dma_semaphore, #tpu.memory_space<semaphore_mem>>)
        %dma_wait3A = arith.constant 0 : i32
        %dma_wait3A_49 = arith.constant 0 : i32
        %dma_wait3A_50 = tpu.memref_slice %arg10[%dma_wait3A, %dma_wait3A_49] : memref<90x128xi32, #tpu.memory_space<vmem>> -> memref<67x128xi32, #tpu.memory_space<vmem>>
        %dma_wait3A_51 = arith.constant 0 : i32
        %dma_wait3A_52 = arith.constant 0 : i32
        %dma_wait3A_53 = tpu.memref_slice %arg6[%arg1, %dma_wait3A_51, %dma_wait3A_52] : memref<16x67x128xi32, #tpu.memory_space<hbm>> -> memref<1x67x128xi32, #tpu.memory_space<hbm>>
        %dma_wait3A_54 = tpu.memref_squeeze %dma_wait3A_53 : memref<1x67x128xi32, #tpu.memory_space<hbm>> -> memref<67x128xi32, #tpu.memory_space<hbm>>
        %dma_wait3A_55 = arith.constant 0 : i32
        %dma_wait3A_56 = arith.constant 0 : i32
        %dma_wait3A_57 = tpu.memref_slice %arg10[%dma_wait3A_55, %dma_wait3A_56] : memref<90x128xi32, #tpu.memory_space<vmem>> -> memref<67x128xi32, #tpu.memory_space<vmem>>
        %dma_wait3A_58 = arith.constant 0 : i32
        %dma_wait3A_59 = arith.constant 0 : i32
        %dma_wait3A_60 = tpu.memref_slice %arg6[%arg1, %dma_wait3A_58, %dma_wait3A_59] : memref<16x67x128xi32, #tpu.memory_space<hbm>> -> memref<1x67x128xi32, #tpu.memory_space<hbm>>
        %dma_wait3A_61 = tpu.memref_squeeze %dma_wait3A_60 : memref<1x67x128xi32, #tpu.memory_space<hbm>> -> memref<67x128xi32, #tpu.memory_space<hbm>>
        tpu.wait_dma2 semaphore(%run_scoped3A : memref<!tpu.dma_semaphore, #tpu.memory_space<semaphore_mem>>) src(%dma_wait3A_61 : memref<67x128xi32, #tpu.memory_space<hbm>>) dst(%dma_wait3A_57 : memref<67x128xi32, #tpu.memory_space<vmem>>)
        tpu.yield
      }) : () -> ()
    } else {
    }
    %barrier3A = arith.constant 0 : index
    tpu.barrier barrier_id(%barrier3A)
    %eq3A_10 = arith.constant 0 : i32
    %eq3A_11 = arith.cmpi eq, %arg0, %eq3A_10 : i32
    %jit3A = arith.constant 90 : i32
    %jit3A_12 = arith.constant 67 : i32
    %select_n3A = arith.select %eq3A_11, %jit3A, %jit3A_12 : i32
    %sub3A = arith.constant 0 : i32
    %sub3A_13 = arith.subi %select_n3A, %sub3A : i32
    %sub3A_14 = arith.constant 1 : i32
    %sub3A_15 = arith.constant 1 : i32
    %sub3A_16 = arith.subi %sub3A_14, %sub3A_15 : i32
    %add3A = arith.addi %sub3A_13, %sub3A_16 : i32
    %div3A = arith.constant 1 : i32
    %div3A_17 = arith.divsi %add3A, %div3A : i32
    %while3A = arith.constant 1 : i32
    %while3A_18 = arith.constant 0 : i32
    %while3A_19 = arith.constant 0 : i32
    %while3A_20 = arith.subi %div3A_17, %while3A_19 : i32
    %while3A_21 = arith.addi %while3A_19, %while3A_20 : i32
    %while3A_22 = arith.constant 1 : i32
    %while3A_23 = arith.divsi %while3A_20, %while3A_22 : i32
    %while3A_24 = arith.muli %while3A_23, %while3A_22 : i32
    %while3A_25 = arith.addi %while3A_19, %while3A_24 : i32
    %while3A_26 = arith.constant 1 : i32
    scf.for %while3A_36 = %while3A_19 to %while3A_25 step %while3A_26  : i32 {
      %mul3A_37 = arith.muli %while3A_36, %while3A : i32
      %add3A_38 = arith.addi %while3A_18, %mul3A_37 : i32
      "tpu.region"() ({
        %run_scoped3A = tpu.sem_alloc : memref<!tpu.dma_semaphore, #tpu.memory_space<semaphore_mem>>
        %dma_start3A = arith.constant 0 : i32
        %dma_start3A_39 = tpu.memref_slice %arg9[%add3A_38, %dma_start3A] : memref<90x128xi32, #tpu.memory_space<vmem>> -> memref<1x128xi32, #tpu.memory_space<vmem>>
        %dma_start3A_40 = tpu.memref_squeeze %dma_start3A_39 : memref<1x128xi32, #tpu.memory_space<vmem>> -> memref<128xi32, #tpu.memory_space<vmem>>
        %dma_start3A_41 = arith.constant 0 : i32
        %dma_start3A_42 = arith.constant 0 : i32
        %dma_start3A_43 = tpu.memref_slice %arg2[%dma_start3A_41, %dma_start3A_42] : memref<10240x128xf32, #tpu.memory_space<hbm>> -> memref<10240x128xf32, #tpu.memory_space<hbm>>
        tpu.enqueue_indirect_dma source(%dma_start3A_43 : memref<10240x128xf32, #tpu.memory_space<hbm>>) target(%arg11 : memref<128x128xf32, #tpu.memory_space<vmem>>) offsets(%dma_start3A_40 : memref<128xi32, #tpu.memory_space<vmem>>) semaphore(%run_scoped3A : memref<!tpu.dma_semaphore, #tpu.memory_space<semaphore_mem>>)
        %dma_wait3A = arith.constant 0 : i32
        %dma_wait3A_44 = tpu.memref_slice %arg9[%add3A_38, %dma_wait3A] : memref<90x128xi32, #tpu.memory_space<vmem>> -> memref<1x128xi32, #tpu.memory_space<vmem>>
        %dma_wait3A_45 = tpu.memref_squeeze %dma_wait3A_44 : memref<1x128xi32, #tpu.memory_space<vmem>> -> memref<128xi32, #tpu.memory_space<vmem>>
        %dma_wait3A_46 = arith.constant 0 : i32
        %dma_wait3A_47 = arith.constant 0 : i32
        %dma_wait3A_48 = tpu.memref_slice %arg2[%dma_wait3A_46, %dma_wait3A_47] : memref<10240x128xf32, #tpu.memory_space<hbm>> -> memref<10240x128xf32, #tpu.memory_space<hbm>>
        tpu.wait_indirect_dma semaphore(%run_scoped3A : memref<!tpu.dma_semaphore, #tpu.memory_space<semaphore_mem>>) src(%dma_wait3A_48 : memref<10240x128xf32, #tpu.memory_space<hbm>>) dst(%arg11 : memref<128x128xf32, #tpu.memory_space<vmem>>)
        tpu.yield
      }) : () -> ()
      "tpu.region"() ({
        %run_scoped3A = tpu.sem_alloc : memref<!tpu.dma_semaphore, #tpu.memory_space<semaphore_mem>>
        %dma_start3A = arith.constant 0 : i32
        %dma_start3A_39 = tpu.memref_slice %arg10[%add3A_38, %dma_start3A] : memref<90x128xi32, #tpu.memory_space<vmem>> -> memref<1x128xi32, #tpu.memory_space<vmem>>
        %dma_start3A_40 = tpu.memref_squeeze %dma_start3A_39 : memref<1x128xi32, #tpu.memory_space<vmem>> -> memref<128xi32, #tpu.memory_space<vmem>>
        %dma_start3A_41 = arith.constant 0 : i32
        %dma_start3A_42 = arith.constant 0 : i32
        %dma_start3A_43 = tpu.memref_slice %arg12[%dma_start3A_41, %dma_start3A_42] : memref<10240x128xf32, #tpu.memory_space<vmem_shared>> -> memref<10240x128xf32, #tpu.memory_space<vmem_shared>>
        tpu.enqueue_indirect_dma source(%arg11 : memref<128x128xf32, #tpu.memory_space<vmem>>) target(%dma_start3A_43 : memref<10240x128xf32, #tpu.memory_space<vmem_shared>>) offsets(%dma_start3A_40 : memref<128xi32, #tpu.memory_space<vmem>>) semaphore(%run_scoped3A : memref<!tpu.dma_semaphore, #tpu.memory_space<semaphore_mem>>) {add = true}
        %dma_wait3A = arith.constant 0 : i32
        %dma_wait3A_44 = tpu.memref_slice %arg10[%add3A_38, %dma_wait3A] : memref<90x128xi32, #tpu.memory_space<vmem>> -> memref<1x128xi32, #tpu.memory_space<vmem>>
        %dma_wait3A_45 = tpu.memref_squeeze %dma_wait3A_44 : memref<1x128xi32, #tpu.memory_space<vmem>> -> memref<128xi32, #tpu.memory_space<vmem>>
        %dma_wait3A_46 = arith.constant 0 : i32
        %dma_wait3A_47 = arith.constant 0 : i32
        %dma_wait3A_48 = tpu.memref_slice %arg12[%dma_wait3A_46, %dma_wait3A_47] : memref<10240x128xf32, #tpu.memory_space<vmem_shared>> -> memref<10240x128xf32, #tpu.memory_space<vmem_shared>>
        tpu.wait_indirect_dma semaphore(%run_scoped3A : memref<!tpu.dma_semaphore, #tpu.memory_space<semaphore_mem>>) src(%arg11 : memref<128x128xf32, #tpu.memory_space<vmem>>) dst(%dma_wait3A_48 : memref<10240x128xf32, #tpu.memory_space<vmem_shared>>)
        tpu.yield
      }) : () -> ()
    }
    %while3A_27 = arith.constant 1 : i32
    scf.for %while3A_36 = %while3A_25 to %while3A_21 step %while3A_27  : i32 {
      %mul3A_37 = arith.muli %while3A_36, %while3A : i32
      %add3A_38 = arith.addi %while3A_18, %mul3A_37 : i32
      "tpu.region"() ({
        %run_scoped3A = tpu.sem_alloc : memref<!tpu.dma_semaphore, #tpu.memory_space<semaphore_mem>>
        %dma_start3A = arith.constant 0 : i32
        %dma_start3A_39 = tpu.memref_slice %arg9[%add3A_38, %dma_start3A] : memref<90x128xi32, #tpu.memory_space<vmem>> -> memref<1x128xi32, #tpu.memory_space<vmem>>
        %dma_start3A_40 = tpu.memref_squeeze %dma_start3A_39 : memref<1x128xi32, #tpu.memory_space<vmem>> -> memref<128xi32, #tpu.memory_space<vmem>>
        %dma_start3A_41 = arith.constant 0 : i32
        %dma_start3A_42 = arith.constant 0 : i32
        %dma_start3A_43 = tpu.memref_slice %arg2[%dma_start3A_41, %dma_start3A_42] : memref<10240x128xf32, #tpu.memory_space<hbm>> -> memref<10240x128xf32, #tpu.memory_space<hbm>>
        tpu.enqueue_indirect_dma source(%dma_start3A_43 : memref<10240x128xf32, #tpu.memory_space<hbm>>) target(%arg11 : memref<128x128xf32, #tpu.memory_space<vmem>>) offsets(%dma_start3A_40 : memref<128xi32, #tpu.memory_space<vmem>>) semaphore(%run_scoped3A : memref<!tpu.dma_semaphore, #tpu.memory_space<semaphore_mem>>)
        %dma_wait3A = arith.constant 0 : i32
        %dma_wait3A_44 = tpu.memref_slice %arg9[%add3A_38, %dma_wait3A] : memref<90x128xi32, #tpu.memory_space<vmem>> -> memref<1x128xi32, #tpu.memory_space<vmem>>
        %dma_wait3A_45 = tpu.memref_squeeze %dma_wait3A_44 : memref<1x128xi32, #tpu.memory_space<vmem>> -> memref<128xi32, #tpu.memory_space<vmem>>
        %dma_wait3A_46 = arith.constant 0 : i32
        %dma_wait3A_47 = arith.constant 0 : i32
        %dma_wait3A_48 = tpu.memref_slice %arg2[%dma_wait3A_46, %dma_wait3A_47] : memref<10240x128xf32, #tpu.memory_space<hbm>> -> memref<10240x128xf32, #tpu.memory_space<hbm>>
        tpu.wait_indirect_dma semaphore(%run_scoped3A : memref<!tpu.dma_semaphore, #tpu.memory_space<semaphore_mem>>) src(%dma_wait3A_48 : memref<10240x128xf32, #tpu.memory_space<hbm>>) dst(%arg11 : memref<128x128xf32, #tpu.memory_space<vmem>>)
        tpu.yield
      }) : () -> ()
      "tpu.region"() ({
        %run_scoped3A = tpu.sem_alloc : memref<!tpu.dma_semaphore, #tpu.memory_space<semaphore_mem>>
        %dma_start3A = arith.constant 0 : i32
        %dma_start3A_39 = tpu.memref_slice %arg10[%add3A_38, %dma_start3A] : memref<90x128xi32, #tpu.memory_space<vmem>> -> memref<1x128xi32, #tpu.memory_space<vmem>>
        %dma_start3A_40 = tpu.memref_squeeze %dma_start3A_39 : memref<1x128xi32, #tpu.memory_space<vmem>> -> memref<128xi32, #tpu.memory_space<vmem>>
        %dma_start3A_41 = arith.constant 0 : i32
        %dma_start3A_42 = arith.constant 0 : i32
        %dma_start3A_43 = tpu.memref_slice %arg12[%dma_start3A_41, %dma_start3A_42] : memref<10240x128xf32, #tpu.memory_space<vmem_shared>> -> memref<10240x128xf32, #tpu.memory_space<vmem_shared>>
        tpu.enqueue_indirect_dma source(%arg11 : memref<128x128xf32, #tpu.memory_space<vmem>>) target(%dma_start3A_43 : memref<10240x128xf32, #tpu.memory_space<vmem_shared>>) offsets(%dma_start3A_40 : memref<128xi32, #tpu.memory_space<vmem>>) semaphore(%run_scoped3A : memref<!tpu.dma_semaphore, #tpu.memory_space<semaphore_mem>>) {add = true}
        %dma_wait3A = arith.constant 0 : i32
        %dma_wait3A_44 = tpu.memref_slice %arg10[%add3A_38, %dma_wait3A] : memref<90x128xi32, #tpu.memory_space<vmem>> -> memref<1x128xi32, #tpu.memory_space<vmem>>
        %dma_wait3A_45 = tpu.memref_squeeze %dma_wait3A_44 : memref<1x128xi32, #tpu.memory_space<vmem>> -> memref<128xi32, #tpu.memory_space<vmem>>
        %dma_wait3A_46 = arith.constant 0 : i32
        %dma_wait3A_47 = arith.constant 0 : i32
        %dma_wait3A_48 = tpu.memref_slice %arg12[%dma_wait3A_46, %dma_wait3A_47] : memref<10240x128xf32, #tpu.memory_space<vmem_shared>> -> memref<10240x128xf32, #tpu.memory_space<vmem_shared>>
        tpu.wait_indirect_dma semaphore(%run_scoped3A : memref<!tpu.dma_semaphore, #tpu.memory_space<semaphore_mem>>) src(%arg11 : memref<128x128xf32, #tpu.memory_space<vmem>>) dst(%dma_wait3A_48 : memref<10240x128xf32, #tpu.memory_space<vmem_shared>>)
        tpu.yield
      }) : () -> ()
    }
    %barrier3A_28 = arith.constant 0 : index
    tpu.barrier barrier_id(%barrier3A_28)
    %mul3A_29 = arith.constant 640 : i32
    %mul3A_30 = arith.muli %arg1, %mul3A_29 : i32
    %mul3A_31 = arith.constant 10240 : i32
    %mul3A_32 = arith.muli %arg0, %mul3A_31 : i32
    %mul3A_33 = arith.constant 640 : i32
    %mul3A_34 = arith.muli %arg1, %mul3A_33 : i32
    %add3A_35 = arith.addi %mul3A_32, %mul3A_34 : i32
    "tpu.region"() ({
      %run_scoped3A = tpu.sem_alloc : memref<!tpu.dma_semaphore, #tpu.memory_space<semaphore_mem>>
      %dma_start3A = arith.constant 0 : i32
      %dma_start3A_36 = tpu.memref_slice %arg8[%add3A_35, %dma_start3A] : memref<20480x128xf32, #tpu.memory_space<hbm>> -> memref<640x128xf32, #tpu.memory_space<hbm>>
      %dma_start3A_37 = arith.constant 0 : i32
      %dma_start3A_38 = tpu.memref_slice %arg12[%mul3A_30, %dma_start3A_37] : memref<10240x128xf32, #tpu.memory_space<vmem_shared>> -> memref<640x128xf32, #tpu.memory_space<vmem_shared>>
      tpu.enqueue_dma source(%dma_start3A_38 : memref<640x128xf32, #tpu.memory_space<vmem_shared>>) target(%dma_start3A_36 : memref<640x128xf32, #tpu.memory_space<hbm>>) target_semaphore(%run_scoped3A : memref<!tpu.dma_semaphore, #tpu.memory_space<semaphore_mem>>)
      %dma_wait3A = arith.constant 0 : i32
      %dma_wait3A_39 = tpu.memref_slice %arg8[%add3A_35, %dma_wait3A] : memref<20480x128xf32, #tpu.memory_space<hbm>> -> memref<640x128xf32, #tpu.memory_space<hbm>>
      %dma_wait3A_40 = arith.constant 0 : i32
      %dma_wait3A_41 = tpu.memref_slice %arg12[%mul3A_30, %dma_wait3A_40] : memref<10240x128xf32, #tpu.memory_space<vmem_shared>> -> memref<640x128xf32, #tpu.memory_space<vmem_shared>>
      tpu.wait_dma2 semaphore(%run_scoped3A : memref<!tpu.dma_semaphore, #tpu.memory_space<semaphore_mem>>) src(%dma_wait3A_41 : memref<640x128xf32, #tpu.memory_space<vmem_shared>>) dst(%dma_wait3A_39 : memref<640x128xf32, #tpu.memory_space<hbm>>)
      tpu.yield
    }) : () -> ()
    return
  }
}

module attributes {stable_mosaic.version = 14 : i64} {
  func.func @_prep_body(%arg0: memref<10240x128xf32, #tpu.memory_space<vmem>>, %arg1: memref<20480x128xf32, #tpu.memory_space<vmem>>, %arg2: memref<128x128xf32, #tpu.memory_space<vmem>>, %arg3: memref<10240x128xf32, #tpu.memory_space<vmem>>) attributes {dimension_semantics = [], scalar_prefetch = 0 : i64, scratch_operands = 0 : i64, tpu.core_type = #tpu.core_type<tc>} {
    %get3A = arith.constant 0 : index
    %get3A_0 = arith.constant 0 : index
    %get3A_1 = vector.load %arg1[%get3A, %get3A_0] : memref<20480x128xf32, #tpu.memory_space<vmem>>, vector<20480x128xf32>
    %slice3A = vector.extract_strided_slice %get3A_1 {offsets = [0, 0], sizes = [10240, 1], strides = [1, 1]} : vector<20480x128xf32> to vector<10240x1xf32>
    %slice3A_2 = vector.extract_strided_slice %get3A_1 {offsets = [10240, 0], sizes = [10240, 1], strides = [1, 1]} : vector<20480x128xf32> to vector<10240x1xf32>
    %add3A = arith.addf %slice3A, %slice3A_2 : vector<10240x1xf32>
    %add3A_3 = arith.constant 1.000000e+00 : f32
    %add3A_4 = vector.broadcast %add3A_3 : f32 to vector<10240x1xf32>
    %add3A_5 = arith.addf %add3A, %add3A_4 : vector<10240x1xf32>
    %iota3A = tpu.iota {dimensions = array<i32: 0>} : vector<10240x1xi32>
    %lt3A = arith.constant 10000 : i32
    %lt3A_6 = vector.broadcast %lt3A : i32 to vector<10240x1xi32>
    %lt3A_7 = arith.cmpi slt, %iota3A, %lt3A_6 : vector<10240x1xi32>
    %rsqrt3A = math.rsqrt %add3A_5 : vector<10240x1xf32>
    %jit3A = arith.constant 0.000000e+00 : f32
    %broadcast_in_dim3A = vector.broadcast %jit3A : f32 to vector<10240x1xf32>
    %select_n3A = arith.select %lt3A_7, %rsqrt3A, %broadcast_in_dim3A : vector<10240x1xi1>, vector<10240x1xf32>
    %get3A_8 = arith.constant 0 : index
    %get3A_9 = arith.constant 0 : index
    %get3A_10 = vector.load %arg0[%get3A_8, %get3A_9] : memref<10240x128xf32, #tpu.memory_space<vmem>>, vector<10240x128xf32>
    %get3A_11 = arith.constant 0 : index
    %get3A_12 = arith.constant 0 : index
    %get3A_13 = vector.load %arg2[%get3A_11, %get3A_12] : memref<128x128xf32, #tpu.memory_space<vmem>>, vector<128x128xf32>
    %dot_general3A = arith.constant dense<0.000000e+00> : vector<10240x128xf32>
    %dot_general3A_14 = tpu.matmul %get3A_10, %get3A_13, %dot_general3A {dimension_numbers = #tpu.dot_dimension_numbers<[1], [0], [0], [1], [0, 0, 1, 1], [], []>, transpose_lhs_hint = false} : vector<10240x128xf32>, vector<128x128xf32>, vector<10240x128xf32> -> vector<10240x128xf32>
    %mul3A = vector.broadcast %select_n3A : vector<10240x1xf32> to vector<10240x128xf32>
    %mul3A_15 = arith.mulf %dot_general3A_14, %mul3A : vector<10240x128xf32>
    %swap3A = arith.constant 0 : index
    %swap3A_16 = arith.constant 0 : index
    %swap3A_17 = vector.load %arg3[%swap3A, %swap3A_16] : memref<10240x128xf32, #tpu.memory_space<vmem>>, vector<10240x128xf32>
    tpu.vector_store %arg3[%swap3A, %swap3A_16], %mul3A_15 {strides = array<i32>} : memref<10240x128xf32, #tpu.memory_space<vmem>>, vector<10240x128xf32>,
    return
  }
}

module attributes {stable_mosaic.version = 14 : i64} {
  func.func @_mid_body(%arg0: memref<20480x128xf32, #tpu.memory_space<vmem>>, %arg1: memref<10240x128xf32, #tpu.memory_space<vmem>>, %arg2: memref<20480x128xf32, #tpu.memory_space<vmem>>, %arg3: memref<1x128xf32, #tpu.memory_space<vmem>>, %arg4: memref<128x128xf32, #tpu.memory_space<vmem>>, %arg5: memref<10240x128xf32, #tpu.memory_space<vmem>>) attributes {dimension_semantics = [], scalar_prefetch = 0 : i64, scratch_operands = 0 : i64, tpu.core_type = #tpu.core_type<tc>} {
    %get3A = arith.constant 0 : index
    %get3A_0 = arith.constant 0 : index
    %get3A_1 = vector.load %arg2[%get3A, %get3A_0] : memref<20480x128xf32, #tpu.memory_space<vmem>>, vector<20480x128xf32>
    %slice3A = vector.extract_strided_slice %get3A_1 {offsets = [0, 0], sizes = [10240, 1], strides = [1, 1]} : vector<20480x128xf32> to vector<10240x1xf32>
    %slice3A_2 = vector.extract_strided_slice %get3A_1 {offsets = [10240, 0], sizes = [10240, 1], strides = [1, 1]} : vector<20480x128xf32> to vector<10240x1xf32>
    %add3A = arith.addf %slice3A, %slice3A_2 : vector<10240x1xf32>
    %add3A_3 = arith.constant 1.000000e+00 : f32
    %add3A_4 = vector.broadcast %add3A_3 : f32 to vector<10240x1xf32>
    %add3A_5 = arith.addf %add3A, %add3A_4 : vector<10240x1xf32>
    %iota3A = tpu.iota {dimensions = array<i32: 0>} : vector<10240x1xi32>
    %lt3A = arith.constant 10000 : i32
    %lt3A_6 = vector.broadcast %lt3A : i32 to vector<10240x1xi32>
    %lt3A_7 = arith.cmpi slt, %iota3A, %lt3A_6 : vector<10240x1xi32>
    %rsqrt3A = math.rsqrt %add3A_5 : vector<10240x1xf32>
    %jit3A = arith.constant 0.000000e+00 : f32
    %broadcast_in_dim3A = vector.broadcast %jit3A : f32 to vector<10240x1xf32>
    %select_n3A = arith.select %lt3A_7, %rsqrt3A, %broadcast_in_dim3A : vector<10240x1xi1>, vector<10240x1xf32>
    %get3A_8 = arith.constant 0 : index
    %get3A_9 = arith.constant 0 : index
    %get3A_10 = vector.load %arg0[%get3A_8, %get3A_9] : memref<20480x128xf32, #tpu.memory_space<vmem>>, vector<20480x128xf32>
    %slice3A_11 = vector.extract_strided_slice %get3A_10 {offsets = [0, 0], sizes = [10240, 128], strides = [1, 1]} : vector<20480x128xf32> to vector<10240x128xf32>
    %slice3A_12 = vector.extract_strided_slice %get3A_10 {offsets = [10240, 0], sizes = [10240, 128], strides = [1, 1]} : vector<20480x128xf32> to vector<10240x128xf32>
    %add3A_13 = arith.addf %slice3A_11, %slice3A_12 : vector<10240x128xf32>
    %get3A_14 = arith.constant 0 : index
    %get3A_15 = arith.constant 0 : index
    %get3A_16 = vector.load %arg1[%get3A_14, %get3A_15] : memref<10240x128xf32, #tpu.memory_space<vmem>>, vector<10240x128xf32>
    %add3A_17 = arith.addf %add3A_13, %get3A_16 : vector<10240x128xf32>
    %mul3A = vector.broadcast %select_n3A : vector<10240x1xf32> to vector<10240x128xf32>
    %mul3A_18 = arith.mulf %add3A_17, %mul3A : vector<10240x128xf32>
    %get3A_19 = arith.constant 0 : index
    %get3A_20 = arith.constant 0 : index
    %get3A_21 = vector.load %arg3[%get3A_19, %get3A_20] : memref<1x128xf32, #tpu.memory_space<vmem>>, vector<1x128xf32>
    %add3A_22 = vector.broadcast %get3A_21 : vector<1x128xf32> to vector<10240x128xf32>
    %add3A_23 = arith.addf %mul3A_18, %add3A_22 : vector<10240x128xf32>
    %max3A = arith.constant 0.000000e+00 : f32
    %max3A_24 = vector.broadcast %max3A : f32 to vector<10240x128xf32>
    %max3A_25 = arith.maximumf %add3A_23, %max3A_24 : vector<10240x128xf32>
    %get3A_26 = arith.constant 0 : index
    %get3A_27 = arith.constant 0 : index
    %get3A_28 = vector.load %arg4[%get3A_26, %get3A_27] : memref<128x128xf32, #tpu.memory_space<vmem>>, vector<128x128xf32>
    %dot_general3A = arith.constant dense<0.000000e+00> : vector<10240x128xf32>
    %dot_general3A_29 = tpu.matmul %max3A_25, %get3A_28, %dot_general3A {dimension_numbers = #tpu.dot_dimension_numbers<[1], [0], [0], [1], [0, 0, 1, 1], [], []>, transpose_lhs_hint = false} : vector<10240x128xf32>, vector<128x128xf32>, vector<10240x128xf32> -> vector<10240x128xf32>
    %mul3A_30 = vector.broadcast %select_n3A : vector<10240x1xf32> to vector<10240x128xf32>
    %mul3A_31 = arith.mulf %dot_general3A_29, %mul3A_30 : vector<10240x128xf32>
    %swap3A = arith.constant 0 : index
    %swap3A_32 = arith.constant 0 : index
    %swap3A_33 = vector.load %arg5[%swap3A, %swap3A_32] : memref<10240x128xf32, #tpu.memory_space<vmem>>, vector<10240x128xf32>
    tpu.vector_store %arg5[%swap3A, %swap3A_32], %mul3A_31 {strides = array<i32>} : memref<10240x128xf32, #tpu.memory_space<vmem>>, vector<10240x128xf32>,
    return
  }
}

module attributes {stable_mosaic.version = 14 : i64} {
  func.func @_final_body(%arg0: memref<20480x128xf32, #tpu.memory_space<vmem>>, %arg1: memref<10240x128xf32, #tpu.memory_space<vmem>>, %arg2: memref<20480x128xf32, #tpu.memory_space<vmem>>, %arg3: memref<1x128xf32, #tpu.memory_space<vmem>>, %arg4: memref<128x1xf32, #tpu.memory_space<vmem>>, %arg5: memref<1x1xf32, #tpu.memory_space<vmem>>, %arg6: memref<10240x128xf32, #tpu.memory_space<vmem>>, %arg7: memref<10240x1xf32, #tpu.memory_space<vmem>>) attributes {dimension_semantics = [], scalar_prefetch = 0 : i64, scratch_operands = 0 : i64, tpu.core_type = #tpu.core_type<tc>} {
    %get3A = arith.constant 0 : index
    %get3A_0 = arith.constant 0 : index
    %get3A_1 = vector.load %arg2[%get3A, %get3A_0] : memref<20480x128xf32, #tpu.memory_space<vmem>>, vector<20480x128xf32>
    %slice3A = vector.extract_strided_slice %get3A_1 {offsets = [0, 0], sizes = [10240, 1], strides = [1, 1]} : vector<20480x128xf32> to vector<10240x1xf32>
    %slice3A_2 = vector.extract_strided_slice %get3A_1 {offsets = [10240, 0], sizes = [10240, 1], strides = [1, 1]} : vector<20480x128xf32> to vector<10240x1xf32>
    %add3A = arith.addf %slice3A, %slice3A_2 : vector<10240x1xf32>
    %add3A_3 = arith.constant 1.000000e+00 : f32
    %add3A_4 = vector.broadcast %add3A_3 : f32 to vector<10240x1xf32>
    %add3A_5 = arith.addf %add3A, %add3A_4 : vector<10240x1xf32>
    %iota3A = tpu.iota {dimensions = array<i32: 0>} : vector<10240x1xi32>
    %lt3A = arith.constant 10000 : i32
    %lt3A_6 = vector.broadcast %lt3A : i32 to vector<10240x1xi32>
    %lt3A_7 = arith.cmpi slt, %iota3A, %lt3A_6 : vector<10240x1xi32>
    %rsqrt3A = math.rsqrt %add3A_5 : vector<10240x1xf32>
    %jit3A = arith.constant 0.000000e+00 : f32
    %broadcast_in_dim3A = vector.broadcast %jit3A : f32 to vector<10240x1xf32>
    %select_n3A = arith.select %lt3A_7, %rsqrt3A, %broadcast_in_dim3A : vector<10240x1xi1>, vector<10240x1xf32>
    %get3A_8 = arith.constant 0 : index
    %get3A_9 = arith.constant 0 : index
    %get3A_10 = vector.load %arg0[%get3A_8, %get3A_9] : memref<20480x128xf32, #tpu.memory_space<vmem>>, vector<20480x128xf32>
    %slice3A_11 = vector.extract_strided_slice %get3A_10 {offsets = [0, 0], sizes = [10240, 128], strides = [1, 1]} : vector<20480x128xf32> to vector<10240x128xf32>
    %slice3A_12 = vector.extract_strided_slice %get3A_10 {offsets = [10240, 0], sizes = [10240, 128], strides = [1, 1]} : vector<20480x128xf32> to vector<10240x128xf32>
    %add3A_13 = arith.addf %slice3A_11, %slice3A_12 : vector<10240x128xf32>
    %get3A_14 = arith.constant 0 : index
    %get3A_15 = arith.constant 0 : index
    %get3A_16 = vector.load %arg1[%get3A_14, %get3A_15] : memref<10240x128xf32, #tpu.memory_space<vmem>>, vector<10240x128xf32>
    %add3A_17 = arith.addf %add3A_13, %get3A_16 : vector<10240x128xf32>
    %mul3A = vector.broadcast %select_n3A : vector<10240x1xf32> to vector<10240x128xf32>
    %mul3A_18 = arith.mulf %add3A_17, %mul3A : vector<10240x128xf32>
    %get3A_19 = arith.constant 0 : index
    %get3A_20 = arith.constant 0 : index
    %get3A_21 = vector.load %arg3[%get3A_19, %get3A_20] : memref<1x128xf32, #tpu.memory_space<vmem>>, vector<1x128xf32>
    %add3A_22 = vector.broadcast %get3A_21 : vector<1x128xf32> to vector<10240x128xf32>
    %add3A_23 = arith.addf %mul3A_18, %add3A_22 : vector<10240x128xf32>
    %max3A = arith.constant 0.000000e+00 : f32
    %max3A_24 = vector.broadcast %max3A : f32 to vector<10240x128xf32>
    %max3A_25 = arith.maximumf %add3A_23, %max3A_24 : vector<10240x128xf32>
    %get3A_26 = arith.constant 0 : index
    %get3A_27 = arith.constant 0 : index
    %get3A_28 = vector.load %arg4[%get3A_26, %get3A_27] : memref<128x1xf32, #tpu.memory_space<vmem>>, vector<128x1xf32>
    %dot_general3A = arith.constant dense<0.000000e+00> : vector<10240x1xf32>
    %dot_general3A_29 = tpu.matmul %max3A_25, %get3A_28, %dot_general3A {dimension_numbers = #tpu.dot_dimension_numbers<[1], [0], [0], [1], [0, 0, 1, 1], [], []>, transpose_lhs_hint = false} : vector<10240x128xf32>, vector<128x1xf32>, vector<10240x1xf32> -> vector<10240x1xf32>
    %get3A_30 = arith.constant 0 : index
    %get3A_31 = arith.constant 0 : index
    %get3A_32 = vector.load %arg5[%get3A_30, %get3A_31] : memref<1x1xf32, #tpu.memory_space<vmem>>, vector<1x1xf32>
    %add3A_33 = vector.broadcast %get3A_32 : vector<1x1xf32> to vector<10240x1xf32>
    %add3A_34 = arith.addf %dot_general3A_29, %add3A_33 : vector<10240x1xf32>
    %ne3A = arith.cmpf one, %max3A_25, %max3A_25 : vector<10240x128xf32>
    %jit3A_35 = arith.constant 0.000000e+00 : f32
    %broadcast_in_dim3A_36 = vector.broadcast %jit3A_35 : f32 to vector<10240x128xf32>
    %select_n3A_37 = arith.select %ne3A, %broadcast_in_dim3A_36, %max3A_25 : vector<10240x128xi1>, vector<10240x128xf32>
    %eq3A = arith.constant 0x7F800000 : f32
    %eq3A_38 = vector.broadcast %eq3A : f32 to vector<10240x128xf32>
    %eq3A_39 = arith.cmpf oeq, %select_n3A_37, %eq3A_38 : vector<10240x128xf32>
    %jit3A_40 = arith.constant 3.40282347E+38 : f32
    %broadcast_in_dim3A_41 = vector.broadcast %jit3A_40 : f32 to vector<10240x128xf32>
    %select_n3A_42 = arith.select %eq3A_39, %broadcast_in_dim3A_41, %select_n3A_37 : vector<10240x128xi1>, vector<10240x128xf32>
    %eq3A_43 = arith.constant 0xFF800000 : f32
    %eq3A_44 = vector.broadcast %eq3A_43 : f32 to vector<10240x128xf32>
    %eq3A_45 = arith.cmpf oeq, %select_n3A_42, %eq3A_44 : vector<10240x128xf32>
    %jit3A_46 = arith.constant -3.40282347E+38 : f32
    %broadcast_in_dim3A_47 = vector.broadcast %jit3A_46 : f32 to vector<10240x128xf32>
    %select_n3A_48 = arith.select %eq3A_45, %broadcast_in_dim3A_47, %select_n3A_42 : vector<10240x128xi1>, vector<10240x128xf32>
    %swap3A = arith.constant 0 : index
    %swap3A_49 = arith.constant 0 : index
    %swap3A_50 = vector.load %arg6[%swap3A, %swap3A_49] : memref<10240x128xf32, #tpu.memory_space<vmem>>, vector<10240x128xf32>
    tpu.vector_store %arg6[%swap3A, %swap3A_49], %select_n3A_48 {strides = array<i32>} : memref<10240x128xf32, #tpu.memory_space<vmem>>, vector<10240x128xf32>,
    %ne3A_51 = arith.cmpf one, %add3A_34, %add3A_34 : vector<10240x1xf32>
    %jit3A_52 = arith.constant 0.000000e+00 : f32
    %broadcast_in_dim3A_53 = vector.broadcast %jit3A_52 : f32 to vector<10240x1xf32>
    %select_n3A_54 = arith.select %ne3A_51, %broadcast_in_dim3A_53, %add3A_34 : vector<10240x1xi1>, vector<10240x1xf32>
    %eq3A_55 = arith.constant 0x7F800000 : f32
    %eq3A_56 = vector.broadcast %eq3A_55 : f32 to vector<10240x1xf32>
    %eq3A_57 = arith.cmpf oeq, %select_n3A_54, %eq3A_56 : vector<10240x1xf32>
    %jit3A_58 = arith.constant 3.40282347E+38 : f32
    %broadcast_in_dim3A_59 = vector.broadcast %jit3A_58 : f32 to vector<10240x1xf32>
    %select_n3A_60 = arith.select %eq3A_57, %broadcast_in_dim3A_59, %select_n3A_54 : vector<10240x1xi1>, vector<10240x1xf32>
    %eq3A_61 = arith.constant 0xFF800000 : f32
    %eq3A_62 = vector.broadcast %eq3A_61 : f32 to vector<10240x1xf32>
    %eq3A_63 = arith.cmpf oeq, %select_n3A_60, %eq3A_62 : vector<10240x1xf32>
    %jit3A_64 = arith.constant -3.40282347E+38 : f32
    %broadcast_in_dim3A_65 = vector.broadcast %jit3A_64 : f32 to vector<10240x1xf32>
    %select_n3A_66 = arith.select %eq3A_63, %broadcast_in_dim3A_65, %select_n3A_60 : vector<10240x1xi1>, vector<10240x1xf32>
    %swap3A_67 = arith.constant 0 : index
    %swap3A_68 = arith.constant 0 : index
    %swap3A_69 = vector.load %arg7[%swap3A_67, %swap3A_68] : memref<10240x1xf32, #tpu.memory_space<vmem>>, vector<10240x1xf32>
    tpu.vector_store %arg7[%swap3A_67, %swap3A_68], %select_n3A_66 {strides = array<i32>} : memref<10240x1xf32, #tpu.memory_space<vmem>>, vector<10240x1xf32>,
    return
  }
}

</mosaic_0001>

<sc_bundles>
// kernel: kernel.10.cloned.1.call-start
scs
__scs_entry_jumppad:
0x0: {  	(pc) =	sbr.rel $0x88, $3  }
0x1: {  	(tag) =	ssettag $0x0;
	lr =	simm.s32 $0x1  }
0x2: {  	[smem:$0x3F97] =	sst lr;
	_ =	strace $0xD0000000  }
0x3: {  	_ = 	snop  }
0x4: {  	_ = 	snop  }
0x5: {  	_ = 	snop  }
0x6: {  	_ = 	snop  }
0x7: {  	_ = 	snop  }
__scs_overlays_trampoline_lowered:
0x8: {  	[smem:$0x3FA6] =	sst s0  }
0x9: {  	[smem:$0x3FA7] =	sst s1  }
0xa: {  	[smem:$0x3FA8] =	sst s2  }
0xb: {  	[smem:$0x3FA9] =	sst s3  }
0xc: {  	[smem:$0x3FAA] =	sst s4  }
0xd: {  	[smem:$0x3FAB] =	sst s5  }
0xe: {  	[smem:$0x3FAC] =	sst s6  }
0xf: {  	[smem:$0x3FAD] =	sst s7  }
0x10: {  	[smem:$0x3FAE] =	sst s8  }
0x11: {  	[smem:$0x3FAF] =	sst s9;
	s0 =	simm.s32 @!p0 $0x0  }
0x12: {  	s1 =	sld [smem:$0x3F95];
	s0 =	simm.s32 @p0 $0x1  }
0x13: {  	[smem:$0x3FB0] =	sst s0;
	s0 =	simm.s32 @!p1 $0x0  }
0x14: {  	s2 =	sld [smem:$0x3F94];
	s0 =	simm.s32 @p1 $0x1  }
0x15: {  	[smem:$0x3FB1] =	sst s0;
	s0 =	simm.s32 @!p2 $0x0  }
0x16: {  	s3 =	sld [smem:$0x3FDB];
	s0 =	simm.s32 @p2 $0x1  }
0x17: {  	s4 =	simm.s32 $0x1BF5;
	[smem:$0x3FB3] =	sst s0  }
0x18: {  	s0 =	sld [smem:$0x3F96];
	_ =	swait.ge [sflag:s4], $0x0  }
0x19: {  	s7 =	sld [smem:$0x3F97]  }
0x1a: {  	s8 =	sadd.s32 $0xFFFFE003, lr  }
0x1b: {  	s9 =	sadd.s32 $0xFFFFFEF7, lr;
	s5 =	simm.s32 $0xFFFFFFFF;
	p2 =	slt.u32 s8, $0xFFFFF086  }
0x1c: {  	p1 =	slt.u32 s9, $0xF7A;
	s5 =	simm.s32 @!p2 $0x0  }
0x1d: {  	s5 =	simm.s32 @p1 $0x1;
	p0 =	seq.s32 s7, s2  }
0x1e: {  	s7 =	smul.u32 @!p0 $0xF7A, s2;
	p2 =	seq.s32 @!p0 s5, $0x0  }
0x1f: {  	s9 =	smul.u32 $0xF7A, s1;
	s8 =	simm.s32 @!p0 $0x1BF5;
	p2 =	por !p2, p0  }
0x20: {  	[sflag:s8] =	ssyncset.s32 @!p0 $0xFFFFF086;
	s6 =	sadd.s32 @!p0 s3, s7;
	s7 =	simm.s32 @!p0 $0x108  }
0x21: {  	s3 =	sadd.s32 s3, s9;
	s6 =	sadd.s32 @!p0 $0x88, s6;
	s7 =	simm.s32 @p2 $0x1082  }
0x22: {  	[simem:s7], [sflag:s8] =	dma.local @!p0 [hbm:s6], $0xF7A  }
0x23: {  	s9 =	sor.u32 $0xD0000000, s2;
	s6 =	simm.s32 $0x108;
	_ =	swait.ge @!p0 [sflag:s8], $0x0  }
0x24: {  	s3 =	sadd.s32 $0x88, s3;
	s6 =	simm.s32 @!p1 $0x1082;
	[sflag:s4] =	ssyncset.s32 $0xFFFFF086  }
0x25: {  	[simem:s6], [sflag:s4] =	dma.local [hbm:s3], $0xF7A  }
0x26: {  	[smem:$0x3F97] =	sst s1;
	(tag) =	ssettag s2;
	_ =	strace s9  }
0x27: {  	s1 =	sld [smem:$0x3FA7]  }
0x28: {  	s2 =	sld [smem:$0x3FA8]  }
0x29: {  	s4 =	sld [smem:$0x3FAA]  }
0x2a: {  	p0 =	seq.s32 s5, $0x0;
	s5 =	sld [smem:$0x3FAB]  }
0x2b: {  	s6 =	sld [smem:$0x3FAC]  }
0x2c: {  	s7 =	sld [smem:$0x3FAD]  }
0x2d: {  	s3 =	simm.s32 $0x108;
	s8 =	sld [smem:$0x3FAE]  }
0x2e: {  	s3 =	simm.s32 @!p0 $0x1082;
	s9 =	sld [smem:$0x3FAF]  }
0x2f: {  	lr =	sadd.s32 s0, s3;
	s0 =	sld [smem:$0x3FA6]  }
0x30: {  	s3 =	sld [smem:$0x3FA9]  }
0x31: {  	[smem:$0x3FB2] =	sst s10  }
0x32: {  	s10 =	sld [smem:$0x3FB0];
	_ =	sdelay $0x3  }
0x33: {  	p0 =	seq.s32 s10, $0x1;
	s10 =	sld [smem:$0x3FB2];
	_ =	sdelay $0x3  }
0x34: {  	[smem:$0x3FB2] =	sst s10  }
0x35: {  	s10 =	sld [smem:$0x3FB1];
	_ =	sdelay $0x3  }
0x36: {  	p1 =	seq.s32 s10, $0x1;
	s10 =	sld [smem:$0x3FB2];
	_ =	sdelay $0x3  }
0x37: {  	[smem:$0x3FB2] =	sst s10  }
0x38: {  	s10 =	sld [smem:$0x3FB3]  }
0x39: {  	_ = 	snop;
	(pc) =	sbr.ind lr, $3  }
0x3a: {  	_ = 	snop  }
0x3b: {  	_ = 	snop  }
0x3c: {  	p2 =	seq.s32 s10, $0x1;
	s10 =	sld [smem:$0x3FB2]  }
0x3d: {  	_ =	shalt  }
0x3e: {  	_ =	shalt  }
0x3f: {  	_ =	shalt  }
0x40: {  	_ =	shalt  }
0x41: {  	_ =	shalt  }
0x42: {  	_ =	shalt  }
0x43: {  	_ =	shalt  }
0x44: {  	_ =	shalt  }
0x45: {  	_ =	shalt  }
0x46: {  	_ =	shalt  }
0x47: {  	_ =	shalt  }
0x48: {  	_ =	shalt  }
0x49: {  	_ =	shalt  }
0x4a: {  	_ =	shalt  }
0x4b: {  	_ =	shalt  }
0x4c: {  	_ =	shalt  }
0x4d: {  	_ =	shalt  }
0x4e: {  	_ =	shalt  }
0x4f: {  	_ =	shalt  }
0x50: {  	_ =	shalt  }
0x51: {  	_ =	shalt  }
0x52: {  	_ =	shalt  }
0x53: {  	_ =	shalt  }
0x54: {  	_ =	shalt  }
0x55: {  	_ =	shalt  }
0x56: {  	_ =	shalt  }
0x57: {  	_ =	shalt  }
0x58: {  	_ =	shalt  }
0x59: {  	_ =	shalt  }
0x5a: {  	_ =	shalt  }
0x5b: {  	_ =	shalt  }
0x5c: {  	_ =	shalt  }
0x5d: {  	_ =	shalt  }
0x5e: {  	_ =	shalt  }
0x5f: {  	_ =	shalt  }
0x60: {  	_ =	shalt  }
0x61: {  	_ =	shalt  }
0x62: {  	_ =	shalt  }
0x63: {  	_ =	shalt  }
0x64: {  	_ =	shalt  }
0x65: {  	_ =	shalt  }
0x66: {  	_ =	shalt  }
0x67: {  	_ =	shalt  }
0x68: {  	_ =	shalt  }
0x69: {  	_ =	shalt  }
0x6a: {  	_ =	shalt  }
0x6b: {  	_ =	shalt  }
0x6c: {  	_ =	shalt  }
0x6d: {  	_ =	shalt  }
0x6e: {  	_ =	shalt  }
0x6f: {  	_ =	shalt  }
0x70: {  	_ =	shalt  }
0x71: {  	_ =	shalt  }
0x72: {  	_ =	shalt  }
0x73: {  	_ =	shalt  }
0x74: {  	_ =	shalt  }
0x75: {  	_ =	shalt  }
0x76: {  	_ =	shalt  }
0x77: {  	_ =	shalt  }
0x78: {  	_ =	shalt  }
0x79: {  	_ =	shalt  }
0x7a: {  	_ =	shalt  }
0x7b: {  	_ =	shalt  }
0x7c: {  	_ =	shalt  }
0x7d: {  	_ =	shalt  }
0x7e: {  	_ =	shalt  }
0x7f: {  	_ =	shalt  }
0x80: {  	_ =	shalt  }
0x81: {  	_ =	shalt  }
0x82: {  	_ =	shalt  }
0x83: {  	_ =	shalt  }
0x84: {  	_ =	shalt  }
0x85: {  	_ =	shalt  }
0x86: {  	_ =	shalt  }
0x87: {  	_ =	shalt  }
.Lfunc_end0:
.L_simem_size_0:
called_computation_lowered:
.L_overlay_start_0:
0x88: {  	s2 =	sld [smem:$0x3FD9]  }
0x89: {  	s3 =	sld [smem:$0x3FFE];
	_ =	sdelay $0x1  }
0x8a: {  	s1 =	srdreg.scid  }
0x8b: {  	s0 =	sand.u32 $0x1, s1  }
0x8c: {  	s14 =	sshll.u32 s0, $0xA;
	s2 =	sadd.s32 s3, s2  }
0x8d: {  	s2 =	sadd.s32 s2, s14  }
0x8e: {  	[smem:$0x3FBE] =	sst s2  }
0x8f: {  	_ = 	snop  }
0x90: {  	s2 =	sld [smem:$0x3FD0];
	_ =	sdelay $0x2  }
0x91: {  	s15 =	simm.s32 $0xA;
	s4 =	simm.s32 $0x10  }
0x92: {  	[smem:s4], [sflag:s15] =	dma.local [hbm:s2], $0x1  }
0x93: {  	_ =	swait.eq [sflag:s15], $0x1  }
0x94: {  	[sflag:s15] =	ssyncset.done $0x0  }
0x95: {  	[sflag:s15] =	ssyncadd.s32 $0xFFFFFFFF  }
0x96: {  	s16 =	sld [smem:$0x10];
	(tm) =	ssettm $0x1  }
0x97: {  	s17 =	sld [smem:$0x3FFB];
	_ =	sdelay $0x3  }
0x98: {  	_ =	strace s17  }
0x99: {  	s3 =	sld [smem:$0x3FFC];
	_ =	sdelay $0x3  }
0x9a: {  	_ =	strace s3  }
0x9b: {  	s3 =	sld [smem:$0x3FFD];
	_ =	sdelay $0x3  }
0x9c: {  	_ =	strace s3  }
0x9d: {  	_ =	strace $0x8FFFFFFF  }
0x9e: {  	s18 =	sld [smem:$0x3FDB];
	_ =	sdelay $0x1  }
0x9f: {  	s19 =	simm.s32 $_scs_section_size  }
0xa0: {  	s5 =	simm.s32 $_size__tile_overlayer_lowered;
	s6 =	simm.s32 $_tile_overlayer_lowered  }
0xa1: {  	s22 =	simm.s32 $0x1BFF;
	s21 =	sshll.u32 s6, $0x1;
	s3 =	sadd.s32 s19, s18  }
0xa2: {  	s7 =	simm.s32 $0x0;
	s20 =	sshll.u32 s5, $0x1;
	s5 =	sadd.s32 s21, s3  }
0xa3: {  	[timem:s7], [sflag:s22] =	dma.local [hbm:s5], s20  }
0xa4: {  	_ =	swait.ge [sflag:s22], s20  }
0xa5: {  	s4 =	ssub.s32 $0x0, s20;
	[sflag:s22] =	ssyncset.done $0x0  }
0xa6: {  	[sflag:s22] =	ssyncadd.s32 s4;
	_ =	sdelay $0x1  }
0xa7: {  	s23 =	simm.s32 $0x1B8B  }
0xa8: {  	_ =	swait.ge [sflag:s23], $0x1  }
0xa9: {  	[sflag:s23] =	ssyncset.done $0x0  }
0xaa: {  	s25 =	simm.s32 $0x1B8E;
	s24 =	sld [smem:$0x3FFE];
	[sflag:s23] =	ssyncadd.s32 $0xFFFFFFFF  }
0xab: {  	s26 =	simm.s32 $execute0_lowered;
	[smem:$0x3FD2] =	sst s25  }
0xac: {  	s5 =	sshll.u32 s26, $0x1;
	_ =	strace $0x80000046;
	[dreg:$0x1] =	wrdreg $0xFFFFFFFF  }
0xad: {  	s28 =	simm.s32 $_size_execute0_lowered;
	s3 =	sadd.s32 s3, s5;
	[dreg:$0x0] =	wrdreg $0x0  }
0xae: {  	s5 =	sshll.u32 s28, $0x1;
	[dreg:$0x2] =	wrdreg s3  }
0xaf: {  	[dreg:$0x3] =	wrdreg s5  }
0xb0: {  	[dreg:$0x4] =	wrdreg $0xC0  }
0xb1: {  	_ =	task [dreg:s7], $0x5FFFF  }
0xb2: {  	[dreg:$0x1] =	wrdreg $0xFFFFFFFF  }
0xb3: {  	[dreg:$0x0] =	wrdreg $0x60  }
0xb4: {  	[dreg:$0x2] =	wrdreg s16  }
0xb5: {  	[dreg:$0x3] =	wrdreg s24  }
0xb6: {  	[dreg:$0x4] =	wrdreg $0x68000  }
0xb7: {  	[dreg:$0x5] =	wrdreg $0x9  }
0xb8: {  	_ =	task.clear_ibuf [dreg:s7], $0x6FFFF;
	_ =	strace $0x90000046  }
0xb9: {  	s29 =	simm.s32 $0x9;
	_ =	strace $0x80000048  }
0xba: {  	_ =	swait.ge [sflag:s29], $0x1  }
0xbb: {  	[sflag:s29] =	ssyncadd.s32 $0xFFFFFFFF  }
0xbc: {  	_ =	strace $0x90000048  }
0xbd: {  	_ =	sfence  }
0xbe: {  	s30 =	sld [smem:$0x0];
	_ =	sdelay $0x2  }
0xbf: {  	s31 =	sshll.u32 s1, $0xD;
	s1 =	sshrl.u32 s1, $0x2  }
0xc0: {  	s3 =	sand.u32 $0x4000, s31;
	s1 =	sadd.s32 s1, s30  }
0xc1: {  	s0 =	sor.u32 s3, s0;
	s1 =	sshll.u32 s1, $0x11  }
0xc2: {  	s0 =	sor.u32 s1, s0  }
0xc3: {  	s0 =	sadd.s32 $0x8F2B, s0  }
0xc4: {  	[sflag:s0] =	ssyncadd.remote.s32 $0x1  }
0xc5: {  	_ =	sfence.sel $0xFFFF  }
0xc6: {  	[dreg:$0x0] =	wrdreg $0xFFFFFFFF;
	(pc) =	sbr.abs _section_cstart, $3  }
0xc7: {  	[dreg:$0x1] =	wrdreg $0xFFFFFFFF  }
0xc8: {  	_ =	task.clear_ibuf [dreg:s7], $0x2FFFF;
	_ =	strace $0x9FFFFFFF  }
0xc9: {  	(tm) =	ssettm $0x7FFFFFFF  }
tec
execute0_lowered:
.L_overlay_start_1:
0x0: {  	(tag) =	ssettag $0x1  }
0x1: {  	s5 =	rddreg [dreg:$0x0]  }
0x2: {  	s6 =	rddreg [dreg:$0x1]  }
0x3: {  	s2 =	rddreg [dreg:$0x2]  }
0x4: {  	s0 =	rddreg [dreg:$0x3];
	s3 =	simm.s32 $0x0;
	s1 =	stileid.u32  }
0x5: {  	s8 =	srdreg.scid;
	s13 =	simm.s32 $0x80;
	s14 =	simm.s32 $0x0  }
0x6: {  	[smem:$0x7FF] =	sst s3;
	s7 =	smul.u32 $0x2800, s1;
	s4 =	sadd.s32 $0x29E00, s6  }
0x7: {  	s8 =	sand.u32 $0x1, s8;
	s12 =	smul.u32 $0x50000, s1;
	s31 =	sshll.u32 s1, $0x6  }
0x8: {  	_ =	strace $0x80000047;
	s10 =	smul.u32 $0x28000, s8;
	s11 =	sshll.u32 s8, $0x4  }
0x9: {  	s8 =	ssub.s32 $0x2, s8;
	s9 =	sadd.s32 s7, s6;
	s11 =	sor.u32 s1, s11  }
0xa: {  	s29 =	sshrl.u32 s8, $0x1;
	s30 =	sshrl.u32 s12, $0x2;
	s7 =	sadd.s32 s7, s10  }
0xb: {  	s11 =	smul.u32 $0x500, s11;
	s8 =	ssub.s32 s8, s29;
	s12 =	sadd.s32 s30, s2  }
0xc: {  	s10 =	simm.s32 $0x2800;
	s7 =	sadd.s32 s7, s6;
	s6 =	sadd.s32 $0x1E00, s9  }
0xd: {  	s8 =	smax.u32 s8, $0x1;
	s9 =	simm.s32 $0x1;
	s12 =	sshrl.u32 s12, $0x3  }
0xe: {  	s5 =	sadd.s32 s5, s11;
	s7 =	sadd.s32 $0x2A600, s7;
	s11 =	sor.u32 $0x1C01, s31  }
.LBB2_1:
0xf: {  	[tilespmem:s3], [sflag:$0x1] =	stream.linear.gather [hbm4b:s5+s3], $0x2780, $0x38;
	[tilespmem:$0x1A800] =	vst v63  }
0x10: {  	_ =	swait.ge [sflag:s9], $0x2780  }
0x11: {  	[sflag:s9] =	ssyncset.done $0x0  }
0x12: {  	[sflag:s9] =	ssyncadd.s32 $0xFFFFD880  }
0x13: {  	[tilespmem:s10], [sflag:$0x1] =	stream.linear.gather [hbm4b:s4+s3], $0x4000, $0x38;
	[tilespmem:$0x1A800] =	vst v63  }
0x14: {  	_ =	swait.ge [sflag:s9], $0x4000  }
0x15: {  	[sflag:s9] =	ssyncset.done $0x0  }
0x16: {  	[sflag:s9] =	ssyncadd.s32 $0xFFFFC000  }
0x17: {  	[spmem:s12], [sflag:s11] =	dma.local [hbm:s6], $0x2800  }
0x18: {  	_ =	swait.ge [sflag:s9], $0x2800  }
0x19: {  	[sflag:s9] =	ssyncset.done $0x0  }
0x1a: {  	[sflag:s9] =	ssyncadd.s32 $0xFFFFD800  }
0x1b: {  	s15 =	simm.s32 $0x0;
	[bflag:$0x0] =	sbarrier.arrive $0xFFFF  }
0x1c: {  	[spmem:s2] =	stream.indirect.scatter.add.f32 [tilespmem:s10], [sflag:$0x1], $0x80, s15, s13, $0xb8;
	[tilespmem:$0x1A800] =	vst v63  }
0x1d: {  	_ =	swait.ge [sflag:s9], $0x4000  }
0x1e: {  	s15 =	simm.s32 $0x200;
	[sflag:s9] =	ssyncset.done $0x0  }
.LBB2_2:
0x1f: {  	s16 =	sshra.s32 s15, $0x2;
	[sflag:s9] =	ssyncadd.s32 $0xFFFFC000;
	p0 =	sne.s32 s15, $0x9C00  }
0x20: {  	[spmem:s2] =	stream.indirect.scatter.add.f32 [tilespmem:s10], [sflag:$0x1], $0x80, s16, s13, $0xb8;
	[tilespmem:$0x1A800] =	vst v63  }
.Ltmp0:
0x21: {  	_ = 	snop;
	(pc) =	sbr.rel @p0 .LBB2_2-.Ltmp0, $4  }
0x22: {  	_ = 	snop  }
0x23: {  	s15 =	sadd.s32 $0x200, s15  }
0x24: {  	_ =	swait.ge [sflag:s9], $0x4000  }
0x25: {  	[sflag:s9] =	ssyncset.done $0x0  }
0x26: {  	s14 =	sadd.s32 $0x1, s14  }
0x27: {  	[sflag:s9] =	ssyncadd.s32 $0xFFFFC000;
	p0 =	sne.s32 s14, s8  }
.Ltmp1:
0x28: {  	[bflag:$0x0] =	sbarrier.arrive $0xFFFF;
	(pc) =	sbr.rel @p0 .LBB2_1-.Ltmp1, $4  }
0x29: {  	[hbm:s7], [sflag:s11] =	dma.local [spmem:s12], $0x2800  }
0x2a: {  	_ =	swait.ge [sflag:s9], $0x2800  }
0x2b: {  	[sflag:s9] =	ssyncset.done $0x0  }
0x2c: {  	[sflag:s9] =	ssyncadd.s32 $0xFFFFD800  }
0x2d: {  	_ =	sfence.sel $0x180000  }
0x2e: {  	[bflag:$0x0] =	sbarrier.arrive $0xFFFF  }
0x2f: {  	p0 =	sne.s32 s1, $0x0;
	_ =	strace $0x90000047  }
0x30: {  	s0 =	sadd.s32 @!p0 $0x100000, s0;
	[bflag:$0x2] =	sbarrier.arrive $0xFFFF  }
0x31: {  	[sflag:s0] =	ssyncadd.tile.s32 @!p0 $0x1;
	_ =	shalt  }
.Lfunc_end2:
_tile_overlayer_lowered:
.L_overlay_start_2:
0x32: {  	(tag) =	ssettag $0x2  }
0x33: {  	s0 =	rddreg [dreg:$0x0];
	s2 =	stileid.u32  }
0x34: {  	s1 =	rddreg [dreg:$0x1];
	p0 =	sne.s32 s2, $0x0  }
0x35: {  	s3 =	rddreg [dreg:$0x2];
	[bflag:$0x3] =	sbarrier.arrive $0xFFFF;
	s2 =	simm.s32 @!p0 $0x1C01  }
0x36: {  	[timem:s3], [sflag:s2] =	dma.local @!p0 [hbm:s0], s1  }
0x37: {  	s0 =	simm.s32 @!p0 $0x1  }
0x38: {  	_ =	swait.ge @!p0 [sflag:s0], s1  }
0x39: {  	s1 =	ssub.s32 @!p0 $0x0, s1;
	[sflag:s0] =	ssyncset.done @!p0 $0x0  }
0x3a: {  	[sflag:s0] =	ssyncadd.s32 @!p0 s1  }
0x3b: {  	[bflag:$0x3] =	sbarrier.arrive $0xFFFF  }
0x3c: {  	_ =	shalt  }

// kernel: kernel.13.cloned.1.call-start
scs
__scs_entry_jumppad:
0x0: {  	(pc) =	sbr.rel $0x88, $3  }
0x1: {  	(tag) =	ssettag $0x0;
	lr =	simm.s32 $0x1  }
0x2: {  	[smem:$0x3F97] =	sst lr;
	_ =	strace $0xD0000000  }
0x3: {  	_ = 	snop  }
0x4: {  	_ = 	snop  }
0x5: {  	_ = 	snop  }
0x6: {  	_ = 	snop  }
0x7: {  	_ = 	snop  }
__scs_overlays_trampoline_lowered:
0x8: {  	[smem:$0x3FA6] =	sst s0  }
0x9: {  	[smem:$0x3FA7] =	sst s1  }
0xa: {  	[smem:$0x3FA8] =	sst s2  }
0xb: {  	[smem:$0x3FA9] =	sst s3  }
0xc: {  	[smem:$0x3FAA] =	sst s4  }
0xd: {  	[smem:$0x3FAB] =	sst s5  }
0xe: {  	[smem:$0x3FAC] =	sst s6  }
0xf: {  	[smem:$0x3FAD] =	sst s7  }
0x10: {  	[smem:$0x3FAE] =	sst s8  }
0x11: {  	[smem:$0x3FAF] =	sst s9;
	s0 =	simm.s32 @!p0 $0x0  }
0x12: {  	s1 =	sld [smem:$0x3F95];
	s0 =	simm.s32 @p0 $0x1  }
0x13: {  	[smem:$0x3FB0] =	sst s0;
	s0 =	simm.s32 @!p1 $0x0  }
0x14: {  	s2 =	sld [smem:$0x3F94];
	s0 =	simm.s32 @p1 $0x1  }
0x15: {  	[smem:$0x3FB1] =	sst s0;
	s0 =	simm.s32 @!p2 $0x0  }
0x16: {  	s3 =	sld [smem:$0x3FDB];
	s0 =	simm.s32 @p2 $0x1  }
0x17: {  	s4 =	simm.s32 $0x1BF5;
	[smem:$0x3FB3] =	sst s0  }
0x18: {  	s0 =	sld [smem:$0x3F96];
	_ =	swait.ge [sflag:s4], $0x0  }
0x19: {  	s7 =	sld [smem:$0x3F97]  }
0x1a: {  	s8 =	sadd.s32 $0xFFFFE003, lr  }
0x1b: {  	s9 =	sadd.s32 $0xFFFFFEF7, lr;
	s5 =	simm.s32 $0xFFFFFFFF;
	p2 =	slt.u32 s8, $0xFFFFF086  }
0x1c: {  	p1 =	slt.u32 s9, $0xF7A;
	s5 =	simm.s32 @!p2 $0x0  }
0x1d: {  	s5 =	simm.s32 @p1 $0x1;
	p0 =	seq.s32 s7, s2  }
0x1e: {  	s7 =	smul.u32 @!p0 $0xF7A, s2;
	p2 =	seq.s32 @!p0 s5, $0x0  }
0x1f: {  	s9 =	smul.u32 $0xF7A, s1;
	s8 =	simm.s32 @!p0 $0x1BF5;
	p2 =	por !p2, p0  }
0x20: {  	[sflag:s8] =	ssyncset.s32 @!p0 $0xFFFFF086;
	s6 =	sadd.s32 @!p0 s3, s7;
	s7 =	simm.s32 @!p0 $0x108  }
0x21: {  	s3 =	sadd.s32 s3, s9;
	s6 =	sadd.s32 @!p0 $0x88, s6;
	s7 =	simm.s32 @p2 $0x1082  }
0x22: {  	[simem:s7], [sflag:s8] =	dma.local @!p0 [hbm:s6], $0xF7A  }
0x23: {  	s9 =	sor.u32 $0xD0000000, s2;
	s6 =	simm.s32 $0x108;
	_ =	swait.ge @!p0 [sflag:s8], $0x0  }
0x24: {  	s3 =	sadd.s32 $0x88, s3;
	s6 =	simm.s32 @!p1 $0x1082;
	[sflag:s4] =	ssyncset.s32 $0xFFFFF086  }
0x25: {  	[simem:s6], [sflag:s4] =	dma.local [hbm:s3], $0xF7A  }
0x26: {  	[smem:$0x3F97] =	sst s1;
	(tag) =	ssettag s2;
	_ =	strace s9  }
0x27: {  	s1 =	sld [smem:$0x3FA7]  }
0x28: {  	s2 =	sld [smem:$0x3FA8]  }
0x29: {  	s4 =	sld [smem:$0x3FAA]  }
0x2a: {  	p0 =	seq.s32 s5, $0x0;
	s5 =	sld [smem:$0x3FAB]  }
0x2b: {  	s6 =	sld [smem:$0x3FAC]  }
0x2c: {  	s7 =	sld [smem:$0x3FAD]  }
0x2d: {  	s3 =	simm.s32 $0x108;
	s8 =	sld [smem:$0x3FAE]  }
0x2e: {  	s3 =	simm.s32 @!p0 $0x1082;
	s9 =	sld [smem:$0x3FAF]  }
0x2f: {  	lr =	sadd.s32 s0, s3;
	s0 =	sld [smem:$0x3FA6]  }
0x30: {  	s3 =	sld [smem:$0x3FA9]  }
0x31: {  	[smem:$0x3FB2] =	sst s10  }
0x32: {  	s10 =	sld [smem:$0x3FB0];
	_ =	sdelay $0x3  }
0x33: {  	p0 =	seq.s32 s10, $0x1;
	s10 =	sld [smem:$0x3FB2];
	_ =	sdelay $0x3  }
0x34: {  	[smem:$0x3FB2] =	sst s10  }
0x35: {  	s10 =	sld [smem:$0x3FB1];
	_ =	sdelay $0x3  }
0x36: {  	p1 =	seq.s32 s10, $0x1;
	s10 =	sld [smem:$0x3FB2];
	_ =	sdelay $0x3  }
0x37: {  	[smem:$0x3FB2] =	sst s10  }
0x38: {  	s10 =	sld [smem:$0x3FB3]  }
0x39: {  	_ = 	snop;
	(pc) =	sbr.ind lr, $3  }
0x3a: {  	_ = 	snop  }
0x3b: {  	_ = 	snop  }
0x3c: {  	p2 =	seq.s32 s10, $0x1;
	s10 =	sld [smem:$0x3FB2]  }
0x3d: {  	_ =	shalt  }
0x3e: {  	_ =	shalt  }
0x3f: {  	_ =	shalt  }
0x40: {  	_ =	shalt  }
0x41: {  	_ =	shalt  }
0x42: {  	_ =	shalt  }
0x43: {  	_ =	shalt  }
0x44: {  	_ =	shalt  }
0x45: {  	_ =	shalt  }
0x46: {  	_ =	shalt  }
0x47: {  	_ =	shalt  }
0x48: {  	_ =	shalt  }
0x49: {  	_ =	shalt  }
0x4a: {  	_ =	shalt  }
0x4b: {  	_ =	shalt  }
0x4c: {  	_ =	shalt  }
0x4d: {  	_ =	shalt  }
0x4e: {  	_ =	shalt  }
0x4f: {  	_ =	shalt  }
0x50: {  	_ =	shalt  }
0x51: {  	_ =	shalt  }
0x52: {  	_ =	shalt  }
0x53: {  	_ =	shalt  }
0x54: {  	_ =	shalt  }
0x55: {  	_ =	shalt  }
0x56: {  	_ =	shalt  }
0x57: {  	_ =	shalt  }
0x58: {  	_ =	shalt  }
0x59: {  	_ =	shalt  }
0x5a: {  	_ =	shalt  }
0x5b: {  	_ =	shalt  }
0x5c: {  	_ =	shalt  }
0x5d: {  	_ =	shalt  }
0x5e: {  	_ =	shalt  }
0x5f: {  	_ =	shalt  }
0x60: {  	_ =	shalt  }
0x61: {  	_ =	shalt  }
0x62: {  	_ =	shalt  }
0x63: {  	_ =	shalt  }
0x64: {  	_ =	shalt  }
0x65: {  	_ =	shalt  }
0x66: {  	_ =	shalt  }
0x67: {  	_ =	shalt  }
0x68: {  	_ =	shalt  }
0x69: {  	_ =	shalt  }
0x6a: {  	_ =	shalt  }
0x6b: {  	_ =	shalt  }
0x6c: {  	_ =	shalt  }
0x6d: {  	_ =	shalt  }
0x6e: {  	_ =	shalt  }
0x6f: {  	_ =	shalt  }
0x70: {  	_ =	shalt  }
0x71: {  	_ =	shalt  }
0x72: {  	_ =	shalt  }
0x73: {  	_ =	shalt  }
0x74: {  	_ =	shalt  }
0x75: {  	_ =	shalt  }
0x76: {  	_ =	shalt  }
0x77: {  	_ =	shalt  }
0x78: {  	_ =	shalt  }
0x79: {  	_ =	shalt  }
0x7a: {  	_ =	shalt  }
0x7b: {  	_ =	shalt  }
0x7c: {  	_ =	shalt  }
0x7d: {  	_ =	shalt  }
0x7e: {  	_ =	shalt  }
0x7f: {  	_ =	shalt  }
0x80: {  	_ =	shalt  }
0x81: {  	_ =	shalt  }
0x82: {  	_ =	shalt  }
0x83: {  	_ =	shalt  }
0x84: {  	_ =	shalt  }
0x85: {  	_ =	shalt  }
0x86: {  	_ =	shalt  }
0x87: {  	_ =	shalt  }
.Lfunc_end0:
.L_simem_size_0:
called_computation.1_lowered:
.L_overlay_start_0:
0x88: {  	s2 =	sld [smem:$0x3FD9]  }
0x89: {  	s3 =	sld [smem:$0x3FFE];
	_ =	sdelay $0x1  }
0x8a: {  	s1 =	srdreg.scid  }
0x8b: {  	s0 =	sand.u32 $0x1, s1  }
0x8c: {  	s16 =	sshll.u32 s0, $0xA;
	s2 =	sadd.s32 s3, s2  }
0x8d: {  	s2 =	sadd.s32 s2, s16  }
0x8e: {  	[smem:$0x3FBE] =	sst s2  }
0x8f: {  	_ = 	snop  }
0x90: {  	(tm) =	ssettm $0x1  }
0x91: {  	s17 =	sld [smem:$0x3FFB];
	_ =	sdelay $0x3  }
0x92: {  	_ =	strace s17  }
0x93: {  	s2 =	sld [smem:$0x3FFC];
	_ =	sdelay $0x3  }
0x94: {  	_ =	strace s2  }
0x95: {  	s2 =	sld [smem:$0x3FFD];
	_ =	sdelay $0x3  }
0x96: {  	_ =	strace s2  }
0x97: {  	_ =	strace $0x8FFFFFFF  }
0x98: {  	s18 =	sld [smem:$0x3FDB];
	_ =	sdelay $0x1  }
0x99: {  	s19 =	simm.s32 $_scs_section_size  }
0x9a: {  	s4 =	simm.s32 $_size__tile_overlayer_lowered;
	s5 =	simm.s32 $_tile_overlayer_lowered  }
0x9b: {  	s22 =	simm.s32 $0x1BFF;
	s21 =	sshll.u32 s5, $0x1;
	s2 =	sadd.s32 s19, s18  }
0x9c: {  	s6 =	simm.s32 $0x0;
	s20 =	sshll.u32 s4, $0x1;
	s4 =	sadd.s32 s21, s2  }
0x9d: {  	[timem:s6], [sflag:s22] =	dma.local [hbm:s4], s20  }
0x9e: {  	_ =	swait.ge [sflag:s22], s20  }
0x9f: {  	s3 =	ssub.s32 $0x0, s20;
	[sflag:s22] =	ssyncset.done $0x0  }
0xa0: {  	[sflag:s22] =	ssyncadd.s32 s3;
	_ =	sdelay $0x1  }
0xa1: {  	s23 =	simm.s32 $0x1B8B  }
0xa2: {  	_ =	swait.ge [sflag:s23], $0x1  }
0xa3: {  	[sflag:s23] =	ssyncset.done $0x0  }
0xa4: {  	s25 =	simm.s32 $0x1B8E;
	s24 =	sld [smem:$0x3FFE];
	[sflag:s23] =	ssyncadd.s32 $0xFFFFFFFF  }
0xa5: {  	s26 =	simm.s32 $execute0_lowered;
	[smem:$0x3FD2] =	sst s25  }
0xa6: {  	s4 =	sshll.u32 s26, $0x1;
	_ =	strace $0x80000049;
	[dreg:$0x1] =	wrdreg $0xFFFFFFFF  }
0xa7: {  	s28 =	simm.s32 $_size_execute0_lowered;
	s2 =	sadd.s32 s2, s4;
	[dreg:$0x0] =	wrdreg $0x0  }
0xa8: {  	s4 =	sshll.u32 s28, $0x1;
	[dreg:$0x2] =	wrdreg s2  }
0xa9: {  	[dreg:$0x3] =	wrdreg s4  }
0xaa: {  	[dreg:$0x4] =	wrdreg $0xC0  }
0xab: {  	_ =	task [dreg:s6], $0x5FFFF  }
0xac: {  	[dreg:$0x1] =	wrdreg $0xFFFFFFFF  }
0xad: {  	[dreg:$0x0] =	wrdreg $0x60  }
0xae: {  	[dreg:$0x2] =	wrdreg s24  }
0xaf: {  	[dreg:$0x3] =	wrdreg $0xA0000  }
0xb0: {  	[dreg:$0x4] =	wrdreg $0x9  }
0xb1: {  	_ =	task.clear_ibuf [dreg:s6], $0x5FFFF;
	_ =	strace $0x90000049  }
0xb2: {  	s29 =	simm.s32 $0x9;
	_ =	strace $0x8000004B  }
0xb3: {  	_ =	swait.ge [sflag:s29], $0x1  }
0xb4: {  	[sflag:s29] =	ssyncadd.s32 $0xFFFFFFFF  }
0xb5: {  	_ =	strace $0x9000004B  }
0xb6: {  	_ =	sfence  }
0xb7: {  	s30 =	sld [smem:$0x0];
	_ =	sdelay $0x2  }
0xb8: {  	s31 =	sshll.u32 s1, $0xD;
	s1 =	sshrl.u32 s1, $0x2  }
0xb9: {  	s3 =	sand.u32 $0x4000, s31;
	s1 =	sadd.s32 s1, s30  }
0xba: {  	s0 =	sor.u32 s3, s0;
	s1 =	sshll.u32 s1, $0x11  }
0xbb: {  	s0 =	sor.u32 s1, s0  }
0xbc: {  	s0 =	sadd.s32 $0x8F2B, s0  }
0xbd: {  	[sflag:s0] =	ssyncadd.remote.s32 $0x1  }
0xbe: {  	_ =	sfence.sel $0xFFFF  }
0xbf: {  	[dreg:$0x0] =	wrdreg $0xFFFFFFFF;
	(pc) =	sbr.abs _section_cstart, $3  }
0xc0: {  	[dreg:$0x1] =	wrdreg $0xFFFFFFFF  }
0xc1: {  	_ =	task.clear_ibuf [dreg:s6], $0x2FFFF;
	_ =	strace $0x9FFFFFFF  }
0xc2: {  	(tm) =	ssettm $0x7FFFFFFF  }
0xc3: {  	_ =	shalt  }
tec
execute0_lowered:
.L_overlay_start_1:
0x0: {  	(tag) =	ssettag $0x1  }
0x1: {  	s5 =	rddreg [dreg:$0x0]  }
0x2: {  	s2 =	rddreg [dreg:$0x1]  }
0x3: {  	s1 =	stileid.u32;
	s0 =	rddreg [dreg:$0x2]  }
0x4: {  	s3 =	simm.s32 $0x0;
	s4 =	srdreg.scid;
	s6 =	smul.u32 $0x600, s1  }
0x5: {  	s16 =	simm.s32 $0x6000;
	s17 =	simm.s32 $0x0;
	s7 =	smul.u32 $0x480, s1  }
0x6: {  	[smem:$0x7FF] =	sst s3;
	s8 =	smul.u32 $0x2800, s1;
	s13 =	sand.u32 $0x1, s4  }
0x7: {  	s4 =	sadd.s32 $0x8F600, s5;
	s28 =	smul.u32 $0x50000, s1;
	s31 =	sshll.u32 s1, $0x6  }
0x8: {  	_ =	strace $0x8000004A;
	s9 =	smul.u32 $0x28000, s13;
	s26 =	ssub.s32 $0x2, s13  }
0x9: {  	p0 =	sne.s32 s13, $0x0;
	s10 =	sadd.s32 s6, s5;
	s11 =	sadd.s32 s7, s5  }
0xa: {  	s29 =	sshrl.u32 s26, $0x1;
	s30 =	sshrl.u32 s28, $0x2;
	s6 =	sor.u32 $0x1C01, s31  }
0xb: {  	s25 =	sadd.s32 s8, s9;
	s8 =	sadd.s32 s8, s5;
	s14 =	ssub.s32 s26, s29  }
0xc: {  	s15 =	sadd.s32 s30, s2;
	s7 =	sadd.s32 $0x86600, s11;
	s9 =	sadd.s32 $0x7A600, s10  }
0xd: {  	s10 =	sadd.s32 $0x80600, s10;
	s12 =	sadd.s32 s25, s5;
	s5 =	sadd.s32 $0x1E00, s8  }
0xe: {  	s8 =	sadd.s32 $0x8AE00, s11;
	s13 =	sshrl.u32 s15, $0x3;
	s15 =	simm.s32 $0x80  }
0xf: {  	s11 =	sadd.s32 $0xB7600, s12;
	s12 =	smax.u32 s14, $0x1;
	s14 =	simm.s32 $0x1  }
.LBB2_1:
0x10: {  	[spmem:s13], [sflag:s6] =	dma.local [hbm:s5], $0x2800  }
0x11: {  	_ =	swait.ge [sflag:s14], $0x2800  }
0x12: {  	[sflag:s14] =	ssyncset.done $0x0  }
0x13: {  	s18 =	simm.s32 @p0 $0x0;
	s19 =	simm.s32 @p0 $0x1;
	[sflag:s14] =	ssyncadd.s32 $0xFFFFD800  }
0x14: {  	[tilespmem:s18], [sflag:$0x1] =	stream.linear.gather @p0 [hbm4b:s7+s18], $0x2180, $0x38;
	[tilespmem:$0x1E000] =	vst v63  }
0x15: {  	_ =	swait.ge @p0 [sflag:s19], $0x2180  }
0x16: {  	[sflag:s19] =	ssyncset.done @p0 $0x0  }
0x17: {  	s20 =	simm.s32 @p0 $0x3000;
	[sflag:s19] =	ssyncadd.s32 @p0 $0xFFFFDE80  }
0x18: {  	[tilespmem:s20], [sflag:$0x1] =	stream.linear.gather @p0 [hbm4b:s8+s18], $0x2180, $0x38;
	[tilespmem:$0x1E000] =	vst v63  }
0x19: {  	_ =	swait.ge @p0 [sflag:s19], $0x2180  }
0x1a: {  	[sflag:s19] =	ssyncset.done @p0 $0x0  }
0x1b: {  	s18 =	simm.s32 @!p0 $0x0;
	[sflag:s19] =	ssyncadd.s32 @p0 $0xFFFFDE80;
	s19 =	simm.s32 @!p0 $0x1  }
0x1c: {  	[tilespmem:s18], [sflag:$0x1] =	stream.linear.gather @!p0 [hbm4b:s9+s18], $0x2D00, $0x38;
	[tilespmem:$0x1E000] =	vst v63  }
0x1d: {  	_ =	swait.ge @!p0 [sflag:s19], $0x2D00  }
0x1e: {  	[sflag:s19] =	ssyncset.done @!p0 $0x0  }
0x1f: {  	s20 =	simm.s32 @!p0 $0x3000;
	[sflag:s19] =	ssyncadd.s32 @!p0 $0xFFFFD300  }
0x20: {  	[tilespmem:s20], [sflag:$0x1] =	stream.linear.gather @!p0 [hbm4b:s10+s18], $0x2D00, $0x38;
	[tilespmem:$0x1E000] =	vst v63  }
0x21: {  	_ =	swait.ge @!p0 [sflag:s19], $0x2D00  }
0x22: {  	[sflag:s19] =	ssyncset.done @!p0 $0x0  }
0x23: {  	[sflag:s19] =	ssyncadd.s32 @!p0 $0xFFFFD300;
	s19 =	simm.s32 @!p0 $0x5A  }
0x24: {  	[bflag:$0x0] =	sbarrier.arrive $0xFFFF;
	s19 =	simm.s32 @p0 $0x43  }
0x25: {  	[tilespmem:s16], [sflag:$0x1] =	stream.indirect.gather [hbm4b:s4+s15], $0x80, s3, s15, $0xb8;
	[tilespmem:$0x1E000] =	vst v63  }
0x26: {  	p1 =	sne.s32 s19, $0x1;
	_ =	swait.ge [sflag:s14], $0x4000  }
.Ltmp0:
0x27: {  	[sflag:s14] =	ssyncset.done $0x0;
	(pc) =	sbr.rel @!p1 .LBB2_3-.Ltmp0, $4  }
0x28: {  	s18 =	simm.s32 $0x3000;
	[sflag:s14] =	ssyncadd.s32 $0xFFFFC000  }
0x29: {  	[spmem:s2] =	stream.indirect.scatter.add.f32 [tilespmem:s16], [sflag:$0x1], $0x80, s18, s15, $0xb8;
	[tilespmem:$0x1E000] =	vst v63  }
0x2a: {  	_ =	swait.ge [sflag:s14], $0x4000  }
0x2b: {  	s20 =	simm.s32 $0x0;
	s19 =	sadd.s32 $0xFFFFFFFF, s19;
	[sflag:s14] =	ssyncset.done $0x0  }
.LBB2_2:
0x2c: {  	[sflag:s14] =	ssyncadd.s32 $0xFFFFC000;
	s20 =	sadd.s32 $0x80, s20;
	s18 =	sadd.s32 $0x80, s18  }
0x2d: {  	[tilespmem:s16], [sflag:$0x1] =	stream.indirect.gather [hbm4b:s4+s15], $0x80, s20, s15, $0xb8;
	[tilespmem:$0x1E000] =	vst v63  }
0x2e: {  	p1 =	sne.s32 s19, $0x1;
	s19 =	sadd.s32 $0xFFFFFFFF, s19;
	_ =	swait.ge [sflag:s14], $0x4000  }
.Ltmp1:
0x2f: {  	[sflag:s14] =	ssyncset.done $0x0;
	(pc) =	sbr.rel @p1 .LBB2_2-.Ltmp1, $4  }
0x30: {  	[sflag:s14] =	ssyncadd.s32 $0xFFFFC000  }
0x31: {  	[spmem:s2] =	stream.indirect.scatter.add.f32 [tilespmem:s16], [sflag:$0x1], $0x80, s18, s15, $0xb8;
	[tilespmem:$0x1E000] =	vst v63  }
0x32: {  	_ =	swait.ge [sflag:s14], $0x4000  }
0x33: {  	[sflag:s14] =	ssyncset.done $0x0  }
.LBB2_3:
0x34: {  	s17 =	sadd.s32 $0x1, s17  }
0x35: {  	[sflag:s14] =	ssyncadd.s32 $0xFFFFC000;
	p1 =	sne.s32 s17, s12  }
.Ltmp2:
0x36: {  	[bflag:$0x0] =	sbarrier.arrive $0xFFFF;
	(pc) =	sbr.rel @p1 .LBB2_1-.Ltmp2, $4  }
0x37: {  	[hbm:s11], [sflag:s6] =	dma.local [spmem:s13], $0x2800  }
0x38: {  	_ =	swait.ge [sflag:s14], $0x2800  }
0x39: {  	[sflag:s14] =	ssyncset.done $0x0  }
0x3a: {  	[sflag:s14] =	ssyncadd.s32 $0xFFFFD800  }
0x3b: {  	_ =	sfence.sel $0x180000  }
0x3c: {  	[bflag:$0x0] =	sbarrier.arrive $0xFFFF  }
0x3d: {  	p0 =	sne.s32 s1, $0x0;
	_ =	strace $0x9000004A  }
0x3e: {  	s0 =	sadd.s32 @!p0 $0x100000, s0;
	[bflag:$0x2] =	sbarrier.arrive $0xFFFF  }
0x3f: {  	[sflag:s0] =	ssyncadd.tile.s32 @!p0 $0x1;
	_ =	shalt  }
.Lfunc_end2:
_tile_overlayer_lowered:
.L_overlay_start_2:
0x40: {  	(tag) =	ssettag $0x2  }
0x41: {  	s0 =	rddreg [dreg:$0x0];
	s2 =	stileid.u32  }
0x42: {  	s1 =	rddreg [dreg:$0x1];
	p0 =	sne.s32 s2, $0x0  }
0x43: {  	s3 =	rddreg [dreg:$0x2];
	[bflag:$0x3] =	sbarrier.arrive $0xFFFF;
	s2 =	simm.s32 @!p0 $0x1C01  }
0x44: {  	[timem:s3], [sflag:s2] =	dma.local @!p0 [hbm:s0], s1  }
0x45: {  	s0 =	simm.s32 @!p0 $0x1  }
0x46: {  	_ =	swait.ge @!p0 [sflag:s0], s1  }
0x47: {  	s1 =	ssub.s32 @!p0 $0x0, s1;
	[sflag:s0] =	ssyncset.done @!p0 $0x0  }
0x48: {  	[sflag:s0] =	ssyncadd.s32 @!p0 s1  }
0x49: {  	[bflag:$0x3] =	sbarrier.arrive $0xFFFF  }
0x4a: {  	_ =	shalt  }

// kernel: kernel.16.cloned.1.call-start
scs
__scs_entry_jumppad:
0x0: {  	(pc) =	sbr.rel $0x88, $3  }
0x1: {  	(tag) =	ssettag $0x0;
	lr =	simm.s32 $0x1  }
0x2: {  	[smem:$0x3F97] =	sst lr;
	_ =	strace $0xD0000000  }
0x3: {  	_ = 	snop  }
0x4: {  	_ = 	snop  }
0x5: {  	_ = 	snop  }
0x6: {  	_ = 	snop  }
0x7: {  	_ = 	snop  }
__scs_overlays_trampoline_lowered:
0x8: {  	[smem:$0x3FA6] =	sst s0  }
0x9: {  	[smem:$0x3FA7] =	sst s1  }
0xa: {  	[smem:$0x3FA8] =	sst s2  }
0xb: {  	[smem:$0x3FA9] =	sst s3  }
0xc: {  	[smem:$0x3FAA] =	sst s4  }
0xd: {  	[smem:$0x3FAB] =	sst s5  }
0xe: {  	[smem:$0x3FAC] =	sst s6  }
0xf: {  	[smem:$0x3FAD] =	sst s7  }
0x10: {  	[smem:$0x3FAE] =	sst s8  }
0x11: {  	[smem:$0x3FAF] =	sst s9;
	s0 =	simm.s32 @!p0 $0x0  }
0x12: {  	s1 =	sld [smem:$0x3F95];
	s0 =	simm.s32 @p0 $0x1  }
0x13: {  	[smem:$0x3FB0] =	sst s0;
	s0 =	simm.s32 @!p1 $0x0  }
0x14: {  	s2 =	sld [smem:$0x3F94];
	s0 =	simm.s32 @p1 $0x1  }
0x15: {  	[smem:$0x3FB1] =	sst s0;
	s0 =	simm.s32 @!p2 $0x0  }
0x16: {  	s3 =	sld [smem:$0x3FDB];
	s0 =	simm.s32 @p2 $0x1  }
0x17: {  	s4 =	simm.s32 $0x1BF5;
	[smem:$0x3FB3] =	sst s0  }
0x18: {  	s0 =	sld [smem:$0x3F96];
	_ =	swait.ge [sflag:s4], $0x0  }
0x19: {  	s7 =	sld [smem:$0x3F97]  }
0x1a: {  	s8 =	sadd.s32 $0xFFFFE003, lr  }
0x1b: {  	s9 =	sadd.s32 $0xFFFFFEF7, lr;
	s5 =	simm.s32 $0xFFFFFFFF;
	p2 =	slt.u32 s8, $0xFFFFF086  }
0x1c: {  	p1 =	slt.u32 s9, $0xF7A;
	s5 =	simm.s32 @!p2 $0x0  }
0x1d: {  	s5 =	simm.s32 @p1 $0x1;
	p0 =	seq.s32 s7, s2  }
0x1e: {  	s7 =	smul.u32 @!p0 $0xF7A, s2;
	p2 =	seq.s32 @!p0 s5, $0x0  }
0x1f: {  	s9 =	smul.u32 $0xF7A, s1;
	s8 =	simm.s32 @!p0 $0x1BF5;
	p2 =	por !p2, p0  }
0x20: {  	[sflag:s8] =	ssyncset.s32 @!p0 $0xFFFFF086;
	s6 =	sadd.s32 @!p0 s3, s7;
	s7 =	simm.s32 @!p0 $0x108  }
0x21: {  	s3 =	sadd.s32 s3, s9;
	s6 =	sadd.s32 @!p0 $0x88, s6;
	s7 =	simm.s32 @p2 $0x1082  }
0x22: {  	[simem:s7], [sflag:s8] =	dma.local @!p0 [hbm:s6], $0xF7A  }
0x23: {  	s9 =	sor.u32 $0xD0000000, s2;
	s6 =	simm.s32 $0x108;
	_ =	swait.ge @!p0 [sflag:s8], $0x0  }
0x24: {  	s3 =	sadd.s32 $0x88, s3;
	s6 =	simm.s32 @!p1 $0x1082;
	[sflag:s4] =	ssyncset.s32 $0xFFFFF086  }
0x25: {  	[simem:s6], [sflag:s4] =	dma.local [hbm:s3], $0xF7A  }
0x26: {  	[smem:$0x3F97] =	sst s1;
	(tag) =	ssettag s2;
	_ =	strace s9  }
0x27: {  	s1 =	sld [smem:$0x3FA7]  }
0x28: {  	s2 =	sld [smem:$0x3FA8]  }
0x29: {  	s4 =	sld [smem:$0x3FAA]  }
0x2a: {  	p0 =	seq.s32 s5, $0x0;
	s5 =	sld [smem:$0x3FAB]  }
0x2b: {  	s6 =	sld [smem:$0x3FAC]  }
0x2c: {  	s7 =	sld [smem:$0x3FAD]  }
0x2d: {  	s3 =	simm.s32 $0x108;
	s8 =	sld [smem:$0x3FAE]  }
0x2e: {  	s3 =	simm.s32 @!p0 $0x1082;
	s9 =	sld [smem:$0x3FAF]  }
0x2f: {  	lr =	sadd.s32 s0, s3;
	s0 =	sld [smem:$0x3FA6]  }
0x30: {  	s3 =	sld [smem:$0x3FA9]  }
0x31: {  	[smem:$0x3FB2] =	sst s10  }
0x32: {  	s10 =	sld [smem:$0x3FB0];
	_ =	sdelay $0x3  }
0x33: {  	p0 =	seq.s32 s10, $0x1;
	s10 =	sld [smem:$0x3FB2];
	_ =	sdelay $0x3  }
0x34: {  	[smem:$0x3FB2] =	sst s10  }
0x35: {  	s10 =	sld [smem:$0x3FB1];
	_ =	sdelay $0x3  }
0x36: {  	p1 =	seq.s32 s10, $0x1;
	s10 =	sld [smem:$0x3FB2];
	_ =	sdelay $0x3  }
0x37: {  	[smem:$0x3FB2] =	sst s10  }
0x38: {  	s10 =	sld [smem:$0x3FB3]  }
0x39: {  	_ = 	snop;
	(pc) =	sbr.ind lr, $3  }
0x3a: {  	_ = 	snop  }
0x3b: {  	_ = 	snop  }
0x3c: {  	p2 =	seq.s32 s10, $0x1;
	s10 =	sld [smem:$0x3FB2]  }
0x3d: {  	_ =	shalt  }
0x3e: {  	_ =	shalt  }
0x3f: {  	_ =	shalt  }
0x40: {  	_ =	shalt  }
0x41: {  	_ =	shalt  }
0x42: {  	_ =	shalt  }
0x43: {  	_ =	shalt  }
0x44: {  	_ =	shalt  }
0x45: {  	_ =	shalt  }
0x46: {  	_ =	shalt  }
0x47: {  	_ =	shalt  }
0x48: {  	_ =	shalt  }
0x49: {  	_ =	shalt  }
0x4a: {  	_ =	shalt  }
0x4b: {  	_ =	shalt  }
0x4c: {  	_ =	shalt  }
0x4d: {  	_ =	shalt  }
0x4e: {  	_ =	shalt  }
0x4f: {  	_ =	shalt  }
0x50: {  	_ =	shalt  }
0x51: {  	_ =	shalt  }
0x52: {  	_ =	shalt  }
0x53: {  	_ =	shalt  }
0x54: {  	_ =	shalt  }
0x55: {  	_ =	shalt  }
0x56: {  	_ =	shalt  }
0x57: {  	_ =	shalt  }
0x58: {  	_ =	shalt  }
0x59: {  	_ =	shalt  }
0x5a: {  	_ =	shalt  }
0x5b: {  	_ =	shalt  }
0x5c: {  	_ =	shalt  }
0x5d: {  	_ =	shalt  }
0x5e: {  	_ =	shalt  }
0x5f: {  	_ =	shalt  }
0x60: {  	_ =	shalt  }
0x61: {  	_ =	shalt  }
0x62: {  	_ =	shalt  }
0x63: {  	_ =	shalt  }
0x64: {  	_ =	shalt  }
0x65: {  	_ =	shalt  }
0x66: {  	_ =	shalt  }
0x67: {  	_ =	shalt  }
0x68: {  	_ =	shalt  }
0x69: {  	_ =	shalt  }
0x6a: {  	_ =	shalt  }
0x6b: {  	_ =	shalt  }
0x6c: {  	_ =	shalt  }
0x6d: {  	_ =	shalt  }
0x6e: {  	_ =	shalt  }
0x6f: {  	_ =	shalt  }
0x70: {  	_ =	shalt  }
0x71: {  	_ =	shalt  }
0x72: {  	_ =	shalt  }
0x73: {  	_ =	shalt  }
0x74: {  	_ =	shalt  }
0x75: {  	_ =	shalt  }
0x76: {  	_ =	shalt  }
0x77: {  	_ =	shalt  }
0x78: {  	_ =	shalt  }
0x79: {  	_ =	shalt  }
0x7a: {  	_ =	shalt  }
0x7b: {  	_ =	shalt  }
0x7c: {  	_ =	shalt  }
0x7d: {  	_ =	shalt  }
0x7e: {  	_ =	shalt  }
0x7f: {  	_ =	shalt  }
0x80: {  	_ =	shalt  }
0x81: {  	_ =	shalt  }
0x82: {  	_ =	shalt  }
0x83: {  	_ =	shalt  }
0x84: {  	_ =	shalt  }
0x85: {  	_ =	shalt  }
0x86: {  	_ =	shalt  }
0x87: {  	_ =	shalt  }
.Lfunc_end0:
.L_simem_size_0:
called_computation.2_lowered:
.L_overlay_start_0:
0x88: {  	s2 =	sld [smem:$0x3FD9]  }
0x89: {  	s3 =	sld [smem:$0x3FFE];
	_ =	sdelay $0x1  }
0x8a: {  	s1 =	srdreg.scid  }
0x8b: {  	s0 =	sand.u32 $0x1, s1  }
0x8c: {  	s16 =	sshll.u32 s0, $0xA;
	s2 =	sadd.s32 s3, s2  }
0x8d: {  	s2 =	sadd.s32 s2, s16  }
0x8e: {  	[smem:$0x3FBE] =	sst s2  }
0x8f: {  	_ = 	snop  }
0x90: {  	(tm) =	ssettm $0x1  }
0x91: {  	s17 =	sld [smem:$0x3FFB];
	_ =	sdelay $0x3  }
0x92: {  	_ =	strace s17  }
0x93: {  	s2 =	sld [smem:$0x3FFC];
	_ =	sdelay $0x3  }
0x94: {  	_ =	strace s2  }
0x95: {  	s2 =	sld [smem:$0x3FFD];
	_ =	sdelay $0x3  }
0x96: {  	_ =	strace s2  }
0x97: {  	_ =	strace $0x8FFFFFFF  }
0x98: {  	s18 =	sld [smem:$0x3FDB];
	_ =	sdelay $0x1  }
0x99: {  	s19 =	simm.s32 $_scs_section_size  }
0x9a: {  	s4 =	simm.s32 $_size__tile_overlayer_lowered;
	s5 =	simm.s32 $_tile_overlayer_lowered  }
0x9b: {  	s22 =	simm.s32 $0x1BFF;
	s21 =	sshll.u32 s5, $0x1;
	s2 =	sadd.s32 s19, s18  }
0x9c: {  	s6 =	simm.s32 $0x0;
	s20 =	sshll.u32 s4, $0x1;
	s4 =	sadd.s32 s21, s2  }
0x9d: {  	[timem:s6], [sflag:s22] =	dma.local [hbm:s4], s20  }
0x9e: {  	_ =	swait.ge [sflag:s22], s20  }
0x9f: {  	s3 =	ssub.s32 $0x0, s20;
	[sflag:s22] =	ssyncset.done $0x0  }
0xa0: {  	[sflag:s22] =	ssyncadd.s32 s3;
	_ =	sdelay $0x1  }
0xa1: {  	s23 =	simm.s32 $0x1B8B  }
0xa2: {  	_ =	swait.ge [sflag:s23], $0x1  }
0xa3: {  	[sflag:s23] =	ssyncset.done $0x0  }
0xa4: {  	s25 =	simm.s32 $0x1B8E;
	s24 =	sld [smem:$0x3FFE];
	[sflag:s23] =	ssyncadd.s32 $0xFFFFFFFF  }
0xa5: {  	s26 =	simm.s32 $execute0_lowered;
	[smem:$0x3FD2] =	sst s25  }
0xa6: {  	s4 =	sshll.u32 s26, $0x1;
	_ =	strace $0x8000004C;
	[dreg:$0x1] =	wrdreg $0xFFFFFFFF  }
0xa7: {  	s28 =	simm.s32 $_size_execute0_lowered;
	s2 =	sadd.s32 s2, s4;
	[dreg:$0x0] =	wrdreg $0x0  }
0xa8: {  	s4 =	sshll.u32 s28, $0x1;
	[dreg:$0x2] =	wrdreg s2  }
0xa9: {  	[dreg:$0x3] =	wrdreg s4  }
0xaa: {  	[dreg:$0x4] =	wrdreg $0xC0  }
0xab: {  	_ =	task [dreg:s6], $0x5FFFF  }
0xac: {  	[dreg:$0x1] =	wrdreg $0xFFFFFFFF  }
0xad: {  	[dreg:$0x0] =	wrdreg $0x60  }
0xae: {  	[dreg:$0x2] =	wrdreg s24  }
0xaf: {  	[dreg:$0x3] =	wrdreg $0xA0000  }
0xb0: {  	[dreg:$0x4] =	wrdreg $0x9  }
0xb1: {  	_ =	task.clear_ibuf [dreg:s6], $0x5FFFF;
	_ =	strace $0x9000004C  }
0xb2: {  	s29 =	simm.s32 $0x9;
	_ =	strace $0x8000004E  }
0xb3: {  	_ =	swait.ge [sflag:s29], $0x1  }
0xb4: {  	[sflag:s29] =	ssyncadd.s32 $0xFFFFFFFF  }
0xb5: {  	_ =	strace $0x9000004E  }
0xb6: {  	_ =	sfence  }
0xb7: {  	s30 =	sld [smem:$0x0];
	_ =	sdelay $0x2  }
0xb8: {  	s31 =	sshll.u32 s1, $0xD;
	s1 =	sshrl.u32 s1, $0x2  }
0xb9: {  	s3 =	sand.u32 $0x4000, s31;
	s1 =	sadd.s32 s1, s30  }
0xba: {  	s0 =	sor.u32 s3, s0;
	s1 =	sshll.u32 s1, $0x11  }
0xbb: {  	s0 =	sor.u32 s1, s0  }
0xbc: {  	s0 =	sadd.s32 $0x8F2B, s0  }
0xbd: {  	[sflag:s0] =	ssyncadd.remote.s32 $0x1  }
0xbe: {  	_ =	sfence.sel $0xFFFF  }
0xbf: {  	[dreg:$0x0] =	wrdreg $0xFFFFFFFF;
	(pc) =	sbr.abs _section_cstart, $3  }
0xc0: {  	[dreg:$0x1] =	wrdreg $0xFFFFFFFF  }
0xc1: {  	_ =	task.clear_ibuf [dreg:s6], $0x2FFFF;
	_ =	strace $0x9FFFFFFF  }
0xc2: {  	(tm) =	ssettm $0x7FFFFFFF  }
0xc3: {  	_ =	shalt  }
tec
execute0_lowered:
.L_overlay_start_1:
0x0: {  	(tag) =	ssettag $0x1  }
0x1: {  	s5 =	rddreg [dreg:$0x0]  }
0x2: {  	s2 =	rddreg [dreg:$0x1]  }
0x3: {  	s1 =	stileid.u32;
	s0 =	rddreg [dreg:$0x2]  }
0x4: {  	s3 =	simm.s32 $0x0;
	s4 =	srdreg.scid;
	s6 =	smul.u32 $0x600, s1  }
0x5: {  	s16 =	simm.s32 $0x6000;
	s17 =	simm.s32 $0x0;
	s7 =	smul.u32 $0x480, s1  }
0x6: {  	[smem:$0x7FF] =	sst s3;
	s8 =	smul.u32 $0x2800, s1;
	s13 =	sand.u32 $0x1, s4  }
0x7: {  	s4 =	sadd.s32 $0x8F600, s5;
	s28 =	smul.u32 $0x50000, s1;
	s31 =	sshll.u32 s1, $0x6  }
0x8: {  	_ =	strace $0x8000004D;
	s9 =	smul.u32 $0x28000, s13;
	s26 =	ssub.s32 $0x2, s13  }
0x9: {  	p0 =	sne.s32 s13, $0x0;
	s10 =	sadd.s32 s6, s5;
	s11 =	sadd.s32 s7, s5  }
0xa: {  	s29 =	sshrl.u32 s26, $0x1;
	s30 =	sshrl.u32 s28, $0x2;
	s6 =	sor.u32 $0x1C01, s31  }
0xb: {  	s25 =	sadd.s32 s8, s9;
	s8 =	sadd.s32 s8, s5;
	s14 =	ssub.s32 s26, s29  }
0xc: {  	s15 =	sadd.s32 s30, s2;
	s7 =	sadd.s32 $0x86600, s11;
	s9 =	sadd.s32 $0x7A600, s10  }
0xd: {  	s10 =	sadd.s32 $0x80600, s10;
	s12 =	sadd.s32 s25, s5;
	s5 =	sadd.s32 $0x1E00, s8  }
0xe: {  	s8 =	sadd.s32 $0x8AE00, s11;
	s13 =	sshrl.u32 s15, $0x3;
	s15 =	simm.s32 $0x80  }
0xf: {  	s11 =	sadd.s32 $0xB7600, s12;
	s12 =	smax.u32 s14, $0x1;
	s14 =	simm.s32 $0x1  }
.LBB2_1:
0x10: {  	[spmem:s13], [sflag:s6] =	dma.local [hbm:s5], $0x2800  }
0x11: {  	_ =	swait.ge [sflag:s14], $0x2800  }
0x12: {  	[sflag:s14] =	ssyncset.done $0x0  }
0x13: {  	s18 =	simm.s32 @p0 $0x0;
	s19 =	simm.s32 @p0 $0x1;
	[sflag:s14] =	ssyncadd.s32 $0xFFFFD800  }
0x14: {  	[tilespmem:s18], [sflag:$0x1] =	stream.linear.gather @p0 [hbm4b:s7+s18], $0x2180, $0x38;
	[tilespmem:$0x1E000] =	vst v63  }
0x15: {  	_ =	swait.ge @p0 [sflag:s19], $0x2180  }
0x16: {  	[sflag:s19] =	ssyncset.done @p0 $0x0  }
0x17: {  	s20 =	simm.s32 @p0 $0x3000;
	[sflag:s19] =	ssyncadd.s32 @p0 $0xFFFFDE80  }
0x18: {  	[tilespmem:s20], [sflag:$0x1] =	stream.linear.gather @p0 [hbm4b:s8+s18], $0x2180, $0x38;
	[tilespmem:$0x1E000] =	vst v63  }
0x19: {  	_ =	swait.ge @p0 [sflag:s19], $0x2180  }
0x1a: {  	[sflag:s19] =	ssyncset.done @p0 $0x0  }
0x1b: {  	s18 =	simm.s32 @!p0 $0x0;
	[sflag:s19] =	ssyncadd.s32 @p0 $0xFFFFDE80;
	s19 =	simm.s32 @!p0 $0x1  }
0x1c: {  	[tilespmem:s18], [sflag:$0x1] =	stream.linear.gather @!p0 [hbm4b:s9+s18], $0x2D00, $0x38;
	[tilespmem:$0x1E000] =	vst v63  }
0x1d: {  	_ =	swait.ge @!p0 [sflag:s19], $0x2D00  }
0x1e: {  	[sflag:s19] =	ssyncset.done @!p0 $0x0  }
0x1f: {  	s20 =	simm.s32 @!p0 $0x3000;
	[sflag:s19] =	ssyncadd.s32 @!p0 $0xFFFFD300  }
0x20: {  	[tilespmem:s20], [sflag:$0x1] =	stream.linear.gather @!p0 [hbm4b:s10+s18], $0x2D00, $0x38;
	[tilespmem:$0x1E000] =	vst v63  }
0x21: {  	_ =	swait.ge @!p0 [sflag:s19], $0x2D00  }
0x22: {  	[sflag:s19] =	ssyncset.done @!p0 $0x0  }
0x23: {  	[sflag:s19] =	ssyncadd.s32 @!p0 $0xFFFFD300;
	s19 =	simm.s32 @!p0 $0x5A  }
0x24: {  	[bflag:$0x0] =	sbarrier.arrive $0xFFFF;
	s19 =	simm.s32 @p0 $0x43  }
0x25: {  	[tilespmem:s16], [sflag:$0x1] =	stream.indirect.gather [hbm4b:s4+s15], $0x80, s3, s15, $0xb8;
	[tilespmem:$0x1E000] =	vst v63  }
0x26: {  	p1 =	sne.s32 s19, $0x1;
	_ =	swait.ge [sflag:s14], $0x4000  }
.Ltmp0:
0x27: {  	[sflag:s14] =	ssyncset.done $0x0;
	(pc) =	sbr.rel @!p1 .LBB2_3-.Ltmp0, $4  }
0x28: {  	s18 =	simm.s32 $0x3000;
	[sflag:s14] =	ssyncadd.s32 $0xFFFFC000  }
0x29: {  	[spmem:s2] =	stream.indirect.scatter.add.f32 [tilespmem:s16], [sflag:$0x1], $0x80, s18, s15, $0xb8;
	[tilespmem:$0x1E000] =	vst v63  }
0x2a: {  	_ =	swait.ge [sflag:s14], $0x4000  }
0x2b: {  	s20 =	simm.s32 $0x0;
	s19 =	sadd.s32 $0xFFFFFFFF, s19;
	[sflag:s14] =	ssyncset.done $0x0  }
.LBB2_2:
0x2c: {  	[sflag:s14] =	ssyncadd.s32 $0xFFFFC000;
	s20 =	sadd.s32 $0x80, s20;
	s18 =	sadd.s32 $0x80, s18  }
0x2d: {  	[tilespmem:s16], [sflag:$0x1] =	stream.indirect.gather [hbm4b:s4+s15], $0x80, s20, s15, $0xb8;
	[tilespmem:$0x1E000] =	vst v63  }
0x2e: {  	p1 =	sne.s32 s19, $0x1;
	s19 =	sadd.s32 $0xFFFFFFFF, s19;
	_ =	swait.ge [sflag:s14], $0x4000  }
.Ltmp1:
0x2f: {  	[sflag:s14] =	ssyncset.done $0x0;
	(pc) =	sbr.rel @p1 .LBB2_2-.Ltmp1, $4  }
0x30: {  	[sflag:s14] =	ssyncadd.s32 $0xFFFFC000  }
0x31: {  	[spmem:s2] =	stream.indirect.scatter.add.f32 [tilespmem:s16], [sflag:$0x1], $0x80, s18, s15, $0xb8;
	[tilespmem:$0x1E000] =	vst v63  }
0x32: {  	_ =	swait.ge [sflag:s14], $0x4000  }
0x33: {  	[sflag:s14] =	ssyncset.done $0x0  }
.LBB2_3:
0x34: {  	s17 =	sadd.s32 $0x1, s17  }
0x35: {  	[sflag:s14] =	ssyncadd.s32 $0xFFFFC000;
	p1 =	sne.s32 s17, s12  }
.Ltmp2:
0x36: {  	[bflag:$0x0] =	sbarrier.arrive $0xFFFF;
	(pc) =	sbr.rel @p1 .LBB2_1-.Ltmp2, $4  }
0x37: {  	[hbm:s11], [sflag:s6] =	dma.local [spmem:s13], $0x2800  }
0x38: {  	_ =	swait.ge [sflag:s14], $0x2800  }
0x39: {  	[sflag:s14] =	ssyncset.done $0x0  }
0x3a: {  	[sflag:s14] =	ssyncadd.s32 $0xFFFFD800  }
0x3b: {  	_ =	sfence.sel $0x180000  }
0x3c: {  	[bflag:$0x0] =	sbarrier.arrive $0xFFFF  }
0x3d: {  	p0 =	sne.s32 s1, $0x0;
	_ =	strace $0x9000004D  }
0x3e: {  	s0 =	sadd.s32 @!p0 $0x100000, s0;
	[bflag:$0x2] =	sbarrier.arrive $0xFFFF  }
0x3f: {  	[sflag:s0] =	ssyncadd.tile.s32 @!p0 $0x1;
	_ =	shalt  }
.Lfunc_end2:
_tile_overlayer_lowered:
.L_overlay_start_2:
0x40: {  	(tag) =	ssettag $0x2  }
0x41: {  	s0 =	rddreg [dreg:$0x0];
	s2 =	stileid.u32  }
0x42: {  	s1 =	rddreg [dreg:$0x1];
	p0 =	sne.s32 s2, $0x0  }
0x43: {  	s3 =	rddreg [dreg:$0x2];
	[bflag:$0x3] =	sbarrier.arrive $0xFFFF;
	s2 =	simm.s32 @!p0 $0x1C01  }
0x44: {  	[timem:s3], [sflag:s2] =	dma.local @!p0 [hbm:s0], s1  }
0x45: {  	s0 =	simm.s32 @!p0 $0x1  }
0x46: {  	_ =	swait.ge @!p0 [sflag:s0], s1  }
0x47: {  	s1 =	ssub.s32 @!p0 $0x0, s1;
	[sflag:s0] =	ssyncset.done @!p0 $0x0  }
0x48: {  	[sflag:s0] =	ssyncadd.s32 @!p0 s1  }
0x49: {  	[bflag:$0x3] =	sbarrier.arrive $0xFFFF  }
0x4a: {  	_ =	shalt  }

// kernel: kernel.19.cloned.1.call-start
scs
__scs_entry_jumppad:
0x0: {  	(pc) =	sbr.rel $0x88, $3  }
0x1: {  	(tag) =	ssettag $0x0;
	lr =	simm.s32 $0x1  }
0x2: {  	[smem:$0x3F97] =	sst lr;
	_ =	strace $0xD0000000  }
0x3: {  	_ = 	snop  }
0x4: {  	_ = 	snop  }
0x5: {  	_ = 	snop  }
0x6: {  	_ = 	snop  }
0x7: {  	_ = 	snop  }
__scs_overlays_trampoline_lowered:
0x8: {  	[smem:$0x3FA6] =	sst s0  }
0x9: {  	[smem:$0x3FA7] =	sst s1  }
0xa: {  	[smem:$0x3FA8] =	sst s2  }
0xb: {  	[smem:$0x3FA9] =	sst s3  }
0xc: {  	[smem:$0x3FAA] =	sst s4  }
0xd: {  	[smem:$0x3FAB] =	sst s5  }
0xe: {  	[smem:$0x3FAC] =	sst s6  }
0xf: {  	[smem:$0x3FAD] =	sst s7  }
0x10: {  	[smem:$0x3FAE] =	sst s8  }
0x11: {  	[smem:$0x3FAF] =	sst s9;
	s0 =	simm.s32 @!p0 $0x0  }
0x12: {  	s1 =	sld [smem:$0x3F95];
	s0 =	simm.s32 @p0 $0x1  }
0x13: {  	[smem:$0x3FB0] =	sst s0;
	s0 =	simm.s32 @!p1 $0x0  }
0x14: {  	s2 =	sld [smem:$0x3F94];
	s0 =	simm.s32 @p1 $0x1  }
0x15: {  	[smem:$0x3FB1] =	sst s0;
	s0 =	simm.s32 @!p2 $0x0  }
0x16: {  	s3 =	sld [smem:$0x3FDB];
	s0 =	simm.s32 @p2 $0x1  }
0x17: {  	s4 =	simm.s32 $0x1BF5;
	[smem:$0x3FB3] =	sst s0  }
0x18: {  	s0 =	sld [smem:$0x3F96];
	_ =	swait.ge [sflag:s4], $0x0  }
0x19: {  	s7 =	sld [smem:$0x3F97]  }
0x1a: {  	s8 =	sadd.s32 $0xFFFFE003, lr  }
0x1b: {  	s9 =	sadd.s32 $0xFFFFFEF7, lr;
	s5 =	simm.s32 $0xFFFFFFFF;
	p2 =	slt.u32 s8, $0xFFFFF086  }
0x1c: {  	p1 =	slt.u32 s9, $0xF7A;
	s5 =	simm.s32 @!p2 $0x0  }
0x1d: {  	s5 =	simm.s32 @p1 $0x1;
	p0 =	seq.s32 s7, s2  }
0x1e: {  	s7 =	smul.u32 @!p0 $0xF7A, s2;
	p2 =	seq.s32 @!p0 s5, $0x0  }
0x1f: {  	s9 =	smul.u32 $0xF7A, s1;
	s8 =	simm.s32 @!p0 $0x1BF5;
	p2 =	por !p2, p0  }
0x20: {  	[sflag:s8] =	ssyncset.s32 @!p0 $0xFFFFF086;
	s6 =	sadd.s32 @!p0 s3, s7;
	s7 =	simm.s32 @!p0 $0x108  }
0x21: {  	s3 =	sadd.s32 s3, s9;
	s6 =	sadd.s32 @!p0 $0x88, s6;
	s7 =	simm.s32 @p2 $0x1082  }
0x22: {  	[simem:s7], [sflag:s8] =	dma.local @!p0 [hbm:s6], $0xF7A  }
0x23: {  	s9 =	sor.u32 $0xD0000000, s2;
	s6 =	simm.s32 $0x108;
	_ =	swait.ge @!p0 [sflag:s8], $0x0  }
0x24: {  	s3 =	sadd.s32 $0x88, s3;
	s6 =	simm.s32 @!p1 $0x1082;
	[sflag:s4] =	ssyncset.s32 $0xFFFFF086  }
0x25: {  	[simem:s6], [sflag:s4] =	dma.local [hbm:s3], $0xF7A  }
0x26: {  	[smem:$0x3F97] =	sst s1;
	(tag) =	ssettag s2;
	_ =	strace s9  }
0x27: {  	s1 =	sld [smem:$0x3FA7]  }
0x28: {  	s2 =	sld [smem:$0x3FA8]  }
0x29: {  	s4 =	sld [smem:$0x3FAA]  }
0x2a: {  	p0 =	seq.s32 s5, $0x0;
	s5 =	sld [smem:$0x3FAB]  }
0x2b: {  	s6 =	sld [smem:$0x3FAC]  }
0x2c: {  	s7 =	sld [smem:$0x3FAD]  }
0x2d: {  	s3 =	simm.s32 $0x108;
	s8 =	sld [smem:$0x3FAE]  }
0x2e: {  	s3 =	simm.s32 @!p0 $0x1082;
	s9 =	sld [smem:$0x3FAF]  }
0x2f: {  	lr =	sadd.s32 s0, s3;
	s0 =	sld [smem:$0x3FA6]  }
0x30: {  	s3 =	sld [smem:$0x3FA9]  }
0x31: {  	[smem:$0x3FB2] =	sst s10  }
0x32: {  	s10 =	sld [smem:$0x3FB0];
	_ =	sdelay $0x3  }
0x33: {  	p0 =	seq.s32 s10, $0x1;
	s10 =	sld [smem:$0x3FB2];
	_ =	sdelay $0x3  }
0x34: {  	[smem:$0x3FB2] =	sst s10  }
0x35: {  	s10 =	sld [smem:$0x3FB1];
	_ =	sdelay $0x3  }
0x36: {  	p1 =	seq.s32 s10, $0x1;
	s10 =	sld [smem:$0x3FB2];
	_ =	sdelay $0x3  }
0x37: {  	[smem:$0x3FB2] =	sst s10  }
0x38: {  	s10 =	sld [smem:$0x3FB3]  }
0x39: {  	_ = 	snop;
	(pc) =	sbr.ind lr, $3  }
0x3a: {  	_ = 	snop  }
0x3b: {  	_ = 	snop  }
0x3c: {  	p2 =	seq.s32 s10, $0x1;
	s10 =	sld [smem:$0x3FB2]  }
0x3d: {  	_ =	shalt  }
0x3e: {  	_ =	shalt  }
0x3f: {  	_ =	shalt  }
0x40: {  	_ =	shalt  }
0x41: {  	_ =	shalt  }
0x42: {  	_ =	shalt  }
0x43: {  	_ =	shalt  }
0x44: {  	_ =	shalt  }
0x45: {  	_ =	shalt  }
0x46: {  	_ =	shalt  }
0x47: {  	_ =	shalt  }
0x48: {  	_ =	shalt  }
0x49: {  	_ =	shalt  }
0x4a: {  	_ =	shalt  }
0x4b: {  	_ =	shalt  }
0x4c: {  	_ =	shalt  }
0x4d: {  	_ =	shalt  }
0x4e: {  	_ =	shalt  }
0x4f: {  	_ =	shalt  }
0x50: {  	_ =	shalt  }
0x51: {  	_ =	shalt  }
0x52: {  	_ =	shalt  }
0x53: {  	_ =	shalt  }
0x54: {  	_ =	shalt  }
0x55: {  	_ =	shalt  }
0x56: {  	_ =	shalt  }
0x57: {  	_ =	shalt  }
0x58: {  	_ =	shalt  }
0x59: {  	_ =	shalt  }
0x5a: {  	_ =	shalt  }
0x5b: {  	_ =	shalt  }
0x5c: {  	_ =	shalt  }
0x5d: {  	_ =	shalt  }
0x5e: {  	_ =	shalt  }
0x5f: {  	_ =	shalt  }
0x60: {  	_ =	shalt  }
0x61: {  	_ =	shalt  }
0x62: {  	_ =	shalt  }
0x63: {  	_ =	shalt  }
0x64: {  	_ =	shalt  }
0x65: {  	_ =	shalt  }
0x66: {  	_ =	shalt  }
0x67: {  	_ =	shalt  }
0x68: {  	_ =	shalt  }
0x69: {  	_ =	shalt  }
0x6a: {  	_ =	shalt  }
0x6b: {  	_ =	shalt  }
0x6c: {  	_ =	shalt  }
0x6d: {  	_ =	shalt  }
0x6e: {  	_ =	shalt  }
0x6f: {  	_ =	shalt  }
0x70: {  	_ =	shalt  }
0x71: {  	_ =	shalt  }
0x72: {  	_ =	shalt  }
0x73: {  	_ =	shalt  }
0x74: {  	_ =	shalt  }
0x75: {  	_ =	shalt  }
0x76: {  	_ =	shalt  }
0x77: {  	_ =	shalt  }
0x78: {  	_ =	shalt  }
0x79: {  	_ =	shalt  }
0x7a: {  	_ =	shalt  }
0x7b: {  	_ =	shalt  }
0x7c: {  	_ =	shalt  }
0x7d: {  	_ =	shalt  }
0x7e: {  	_ =	shalt  }
0x7f: {  	_ =	shalt  }
0x80: {  	_ =	shalt  }
0x81: {  	_ =	shalt  }
0x82: {  	_ =	shalt  }
0x83: {  	_ =	shalt  }
0x84: {  	_ =	shalt  }
0x85: {  	_ =	shalt  }
0x86: {  	_ =	shalt  }
0x87: {  	_ =	shalt  }
.Lfunc_end0:
.L_simem_size_0:
called_computation.3_lowered:
.L_overlay_start_0:
0x88: {  	s2 =	sld [smem:$0x3FD9]  }
0x89: {  	s3 =	sld [smem:$0x3FFE];
	_ =	sdelay $0x1  }
0x8a: {  	s1 =	srdreg.scid  }
0x8b: {  	s0 =	sand.u32 $0x1, s1  }
0x8c: {  	s16 =	sshll.u32 s0, $0xA;
	s2 =	sadd.s32 s3, s2  }
0x8d: {  	s2 =	sadd.s32 s2, s16  }
0x8e: {  	[smem:$0x3FBE] =	sst s2  }
0x8f: {  	_ = 	snop  }
0x90: {  	(tm) =	ssettm $0x1  }
0x91: {  	s17 =	sld [smem:$0x3FFB];
	_ =	sdelay $0x3  }
0x92: {  	_ =	strace s17  }
0x93: {  	s2 =	sld [smem:$0x3FFC];
	_ =	sdelay $0x3  }
0x94: {  	_ =	strace s2  }
0x95: {  	s2 =	sld [smem:$0x3FFD];
	_ =	sdelay $0x3  }
0x96: {  	_ =	strace s2  }
0x97: {  	_ =	strace $0x8FFFFFFF  }
0x98: {  	s18 =	sld [smem:$0x3FDB];
	_ =	sdelay $0x1  }
0x99: {  	s19 =	simm.s32 $_scs_section_size  }
0x9a: {  	s4 =	simm.s32 $_size__tile_overlayer_lowered;
	s5 =	simm.s32 $_tile_overlayer_lowered  }
0x9b: {  	s22 =	simm.s32 $0x1BFF;
	s21 =	sshll.u32 s5, $0x1;
	s2 =	sadd.s32 s19, s18  }
0x9c: {  	s6 =	simm.s32 $0x0;
	s20 =	sshll.u32 s4, $0x1;
	s4 =	sadd.s32 s21, s2  }
0x9d: {  	[timem:s6], [sflag:s22] =	dma.local [hbm:s4], s20  }
0x9e: {  	_ =	swait.ge [sflag:s22], s20  }
0x9f: {  	s3 =	ssub.s32 $0x0, s20;
	[sflag:s22] =	ssyncset.done $0x0  }
0xa0: {  	[sflag:s22] =	ssyncadd.s32 s3;
	_ =	sdelay $0x1  }
0xa1: {  	s23 =	simm.s32 $0x1B8B  }
0xa2: {  	_ =	swait.ge [sflag:s23], $0x1  }
0xa3: {  	[sflag:s23] =	ssyncset.done $0x0  }
0xa4: {  	s25 =	simm.s32 $0x1B8E;
	s24 =	sld [smem:$0x3FFE];
	[sflag:s23] =	ssyncadd.s32 $0xFFFFFFFF  }
0xa5: {  	s26 =	simm.s32 $execute0_lowered;
	[smem:$0x3FD2] =	sst s25  }
0xa6: {  	s4 =	sshll.u32 s26, $0x1;
	_ =	strace $0x8000004F;
	[dreg:$0x1] =	wrdreg $0xFFFFFFFF  }
0xa7: {  	s28 =	simm.s32 $_size_execute0_lowered;
	s2 =	sadd.s32 s2, s4;
	[dreg:$0x0] =	wrdreg $0x0  }
0xa8: {  	s4 =	sshll.u32 s28, $0x1;
	[dreg:$0x2] =	wrdreg s2  }
0xa9: {  	[dreg:$0x3] =	wrdreg s4  }
0xaa: {  	[dreg:$0x4] =	wrdreg $0xC0  }
0xab: {  	_ =	task [dreg:s6], $0x5FFFF  }
0xac: {  	[dreg:$0x1] =	wrdreg $0xFFFFFFFF  }
0xad: {  	[dreg:$0x0] =	wrdreg $0x60  }
0xae: {  	[dreg:$0x2] =	wrdreg s24  }
0xaf: {  	[dreg:$0x3] =	wrdreg $0xA0000  }
0xb0: {  	[dreg:$0x4] =	wrdreg $0x9  }
0xb1: {  	_ =	task.clear_ibuf [dreg:s6], $0x5FFFF;
	_ =	strace $0x9000004F  }
0xb2: {  	s29 =	simm.s32 $0x9;
	_ =	strace $0x80000051  }
0xb3: {  	_ =	swait.ge [sflag:s29], $0x1  }
0xb4: {  	[sflag:s29] =	ssyncadd.s32 $0xFFFFFFFF  }
0xb5: {  	_ =	strace $0x90000051  }
0xb6: {  	_ =	sfence  }
0xb7: {  	s30 =	sld [smem:$0x0];
	_ =	sdelay $0x2  }
0xb8: {  	s31 =	sshll.u32 s1, $0xD;
	s1 =	sshrl.u32 s1, $0x2  }
0xb9: {  	s3 =	sand.u32 $0x4000, s31;
	s1 =	sadd.s32 s1, s30  }
0xba: {  	s0 =	sor.u32 s3, s0;
	s1 =	sshll.u32 s1, $0x11  }
0xbb: {  	s0 =	sor.u32 s1, s0  }
0xbc: {  	s0 =	sadd.s32 $0x8F2B, s0  }
0xbd: {  	[sflag:s0] =	ssyncadd.remote.s32 $0x1  }
0xbe: {  	_ =	sfence.sel $0xFFFF  }
0xbf: {  	[dreg:$0x0] =	wrdreg $0xFFFFFFFF;
	(pc) =	sbr.abs _section_cstart, $3  }
0xc0: {  	[dreg:$0x1] =	wrdreg $0xFFFFFFFF  }
0xc1: {  	_ =	task.clear_ibuf [dreg:s6], $0x2FFFF;
	_ =	strace $0x9FFFFFFF  }
0xc2: {  	(tm) =	ssettm $0x7FFFFFFF  }
0xc3: {  	_ =	shalt  }
tec
execute0_lowered:
.L_overlay_start_1:
0x0: {  	(tag) =	ssettag $0x1  }
0x1: {  	s5 =	rddreg [dreg:$0x0]  }
0x2: {  	s2 =	rddreg [dreg:$0x1]  }
0x3: {  	s1 =	stileid.u32;
	s0 =	rddreg [dreg:$0x2]  }
0x4: {  	s3 =	simm.s32 $0x0;
	s4 =	srdreg.scid;
	s6 =	smul.u32 $0x600, s1  }
0x5: {  	s16 =	simm.s32 $0x6000;
	s17 =	simm.s32 $0x0;
	s7 =	smul.u32 $0x480, s1  }
0x6: {  	[smem:$0x7FF] =	sst s3;
	s8 =	smul.u32 $0x2800, s1;
	s13 =	sand.u32 $0x1, s4  }
0x7: {  	s4 =	sadd.s32 $0x8F600, s5;
	s28 =	smul.u32 $0x50000, s1;
	s31 =	sshll.u32 s1, $0x6  }
0x8: {  	_ =	strace $0x80000050;
	s9 =	smul.u32 $0x28000, s13;
	s26 =	ssub.s32 $0x2, s13  }
0x9: {  	p0 =	sne.s32 s13, $0x0;
	s10 =	sadd.s32 s6, s5;
	s11 =	sadd.s32 s7, s5  }
0xa: {  	s29 =	sshrl.u32 s26, $0x1;
	s30 =	sshrl.u32 s28, $0x2;
	s6 =	sor.u32 $0x1C01, s31  }
0xb: {  	s25 =	sadd.s32 s8, s9;
	s8 =	sadd.s32 s8, s5;
	s14 =	ssub.s32 s26, s29  }
0xc: {  	s15 =	sadd.s32 s30, s2;
	s7 =	sadd.s32 $0x86600, s11;
	s9 =	sadd.s32 $0x7A600, s10  }
0xd: {  	s10 =	sadd.s32 $0x80600, s10;
	s12 =	sadd.s32 s25, s5;
	s5 =	sadd.s32 $0x1E00, s8  }
0xe: {  	s8 =	sadd.s32 $0x8AE00, s11;
	s13 =	sshrl.u32 s15, $0x3;
	s15 =	simm.s32 $0x80  }
0xf: {  	s11 =	sadd.s32 $0xB7600, s12;
	s12 =	smax.u32 s14, $0x1;
	s14 =	simm.s32 $0x1  }
.LBB2_1:
0x10: {  	[spmem:s13], [sflag:s6] =	dma.local [hbm:s5], $0x2800  }
0x11: {  	_ =	swait.ge [sflag:s14], $0x2800  }
0x12: {  	[sflag:s14] =	ssyncset.done $0x0  }
0x13: {  	s18 =	simm.s32 @p0 $0x0;
	s19 =	simm.s32 @p0 $0x1;
	[sflag:s14] =	ssyncadd.s32 $0xFFFFD800  }
0x14: {  	[tilespmem:s18], [sflag:$0x1] =	stream.linear.gather @p0 [hbm4b:s7+s18], $0x2180, $0x38;
	[tilespmem:$0x1E000] =	vst v63  }
0x15: {  	_ =	swait.ge @p0 [sflag:s19], $0x2180  }
0x16: {  	[sflag:s19] =	ssyncset.done @p0 $0x0  }
0x17: {  	s20 =	simm.s32 @p0 $0x3000;
	[sflag:s19] =	ssyncadd.s32 @p0 $0xFFFFDE80  }
0x18: {  	[tilespmem:s20], [sflag:$0x1] =	stream.linear.gather @p0 [hbm4b:s8+s18], $0x2180, $0x38;
	[tilespmem:$0x1E000] =	vst v63  }
0x19: {  	_ =	swait.ge @p0 [sflag:s19], $0x2180  }
0x1a: {  	[sflag:s19] =	ssyncset.done @p0 $0x0  }
0x1b: {  	s18 =	simm.s32 @!p0 $0x0;
	[sflag:s19] =	ssyncadd.s32 @p0 $0xFFFFDE80;
	s19 =	simm.s32 @!p0 $0x1  }
0x1c: {  	[tilespmem:s18], [sflag:$0x1] =	stream.linear.gather @!p0 [hbm4b:s9+s18], $0x2D00, $0x38;
	[tilespmem:$0x1E000] =	vst v63  }
0x1d: {  	_ =	swait.ge @!p0 [sflag:s19], $0x2D00  }
0x1e: {  	[sflag:s19] =	ssyncset.done @!p0 $0x0  }
0x1f: {  	s20 =	simm.s32 @!p0 $0x3000;
	[sflag:s19] =	ssyncadd.s32 @!p0 $0xFFFFD300  }
0x20: {  	[tilespmem:s20], [sflag:$0x1] =	stream.linear.gather @!p0 [hbm4b:s10+s18], $0x2D00, $0x38;
	[tilespmem:$0x1E000] =	vst v63  }
0x21: {  	_ =	swait.ge @!p0 [sflag:s19], $0x2D00  }
0x22: {  	[sflag:s19] =	ssyncset.done @!p0 $0x0  }
0x23: {  	[sflag:s19] =	ssyncadd.s32 @!p0 $0xFFFFD300;
	s19 =	simm.s32 @!p0 $0x5A  }
0x24: {  	[bflag:$0x0] =	sbarrier.arrive $0xFFFF;
	s19 =	simm.s32 @p0 $0x43  }
0x25: {  	[tilespmem:s16], [sflag:$0x1] =	stream.indirect.gather [hbm4b:s4+s15], $0x80, s3, s15, $0xb8;
	[tilespmem:$0x1E000] =	vst v63  }
0x26: {  	p1 =	sne.s32 s19, $0x1;
	_ =	swait.ge [sflag:s14], $0x4000  }
.Ltmp0:
0x27: {  	[sflag:s14] =	ssyncset.done $0x0;
	(pc) =	sbr.rel @!p1 .LBB2_3-.Ltmp0, $4  }
0x28: {  	s18 =	simm.s32 $0x3000;
	[sflag:s14] =	ssyncadd.s32 $0xFFFFC000  }
0x29: {  	[spmem:s2] =	stream.indirect.scatter.add.f32 [tilespmem:s16], [sflag:$0x1], $0x80, s18, s15, $0xb8;
	[tilespmem:$0x1E000] =	vst v63  }
0x2a: {  	_ =	swait.ge [sflag:s14], $0x4000  }
0x2b: {  	s20 =	simm.s32 $0x0;
	s19 =	sadd.s32 $0xFFFFFFFF, s19;
	[sflag:s14] =	ssyncset.done $0x0  }
.LBB2_2:
0x2c: {  	[sflag:s14] =	ssyncadd.s32 $0xFFFFC000;
	s20 =	sadd.s32 $0x80, s20;
	s18 =	sadd.s32 $0x80, s18  }
0x2d: {  	[tilespmem:s16], [sflag:$0x1] =	stream.indirect.gather [hbm4b:s4+s15], $0x80, s20, s15, $0xb8;
	[tilespmem:$0x1E000] =	vst v63  }
0x2e: {  	p1 =	sne.s32 s19, $0x1;
	s19 =	sadd.s32 $0xFFFFFFFF, s19;
	_ =	swait.ge [sflag:s14], $0x4000  }
.Ltmp1:
0x2f: {  	[sflag:s14] =	ssyncset.done $0x0;
	(pc) =	sbr.rel @p1 .LBB2_2-.Ltmp1, $4  }
0x30: {  	[sflag:s14] =	ssyncadd.s32 $0xFFFFC000  }
0x31: {  	[spmem:s2] =	stream.indirect.scatter.add.f32 [tilespmem:s16], [sflag:$0x1], $0x80, s18, s15, $0xb8;
	[tilespmem:$0x1E000] =	vst v63  }
0x32: {  	_ =	swait.ge [sflag:s14], $0x4000  }
0x33: {  	[sflag:s14] =	ssyncset.done $0x0  }
.LBB2_3:
0x34: {  	s17 =	sadd.s32 $0x1, s17  }
0x35: {  	[sflag:s14] =	ssyncadd.s32 $0xFFFFC000;
	p1 =	sne.s32 s17, s12  }
.Ltmp2:
0x36: {  	[bflag:$0x0] =	sbarrier.arrive $0xFFFF;
	(pc) =	sbr.rel @p1 .LBB2_1-.Ltmp2, $4  }
0x37: {  	[hbm:s11], [sflag:s6] =	dma.local [spmem:s13], $0x2800  }
0x38: {  	_ =	swait.ge [sflag:s14], $0x2800  }
0x39: {  	[sflag:s14] =	ssyncset.done $0x0  }
0x3a: {  	[sflag:s14] =	ssyncadd.s32 $0xFFFFD800  }
0x3b: {  	_ =	sfence.sel $0x180000  }
0x3c: {  	[bflag:$0x0] =	sbarrier.arrive $0xFFFF  }
0x3d: {  	p0 =	sne.s32 s1, $0x0;
	_ =	strace $0x90000050  }
0x3e: {  	s0 =	sadd.s32 @!p0 $0x100000, s0;
	[bflag:$0x2] =	sbarrier.arrive $0xFFFF  }
0x3f: {  	[sflag:s0] =	ssyncadd.tile.s32 @!p0 $0x1;
	_ =	shalt  }
.Lfunc_end2:
_tile_overlayer_lowered:
.L_overlay_start_2:
0x40: {  	(tag) =	ssettag $0x2  }
0x41: {  	s0 =	rddreg [dreg:$0x0];
	s2 =	stileid.u32  }
0x42: {  	s1 =	rddreg [dreg:$0x1];
	p0 =	sne.s32 s2, $0x0  }
0x43: {  	s3 =	rddreg [dreg:$0x2];
	[bflag:$0x3] =	sbarrier.arrive $0xFFFF;
	s2 =	simm.s32 @!p0 $0x1C01  }
0x44: {  	[timem:s3], [sflag:s2] =	dma.local @!p0 [hbm:s0], s1  }
0x45: {  	s0 =	simm.s32 @!p0 $0x1  }
0x46: {  	_ =	swait.ge @!p0 [sflag:s0], s1  }
0x47: {  	s1 =	ssub.s32 @!p0 $0x0, s1;
	[sflag:s0] =	ssyncset.done @!p0 $0x0  }
0x48: {  	[sflag:s0] =	ssyncadd.s32 @!p0 s1  }
0x49: {  	[bflag:$0x3] =	sbarrier.arrive $0xFFFF  }
0x4a: {  	_ =	shalt  }

</sc_bundles>
